<compile_context>
chip_gen: v7x
topology: tpu7x:2x2x1
jax: 0.10.2.dev20260603
libtpu: 0.0.44.dev20260713+nightly
codegen_flags: <defaults>
</compile_context>

<pallas_src>
import functools

import jax
import jax.numpy as jnp
from jax import lax
from jax.experimental import pallas as pl
from jax.experimental.pallas import tpu as pltpu
from jax.experimental.pallas import tpu_sc as plsc

_EMBED = 300
_SPLIT = 256
_TAIL = _EMBED - _SPLIT
_NC = 2
_NS = 16
_NW = _NC * _NS


@functools.partial(jax.jit, static_argnums=(3, 4))
def _gather(table, tail_tab, idx, n_per_w, chunk):
    n_total = idx.shape[0]
    nchunks = n_per_w // chunk
    mesh = plsc.VectorSubcoreMesh(core_axis_name="c", subcore_axis_name="s")

    @functools.partial(
        pl.kernel,
        mesh=mesh,
        out_type=jax.ShapeDtypeStruct((n_total, _EMBED), jnp.float32),
        scratch_types=[
            pltpu.VMEM((n_per_w,), jnp.int32),
            pltpu.VMEM((chunk, _EMBED), jnp.float32),
            pltpu.VMEM((chunk, _EMBED), jnp.float32),
            pltpu.VMEM((chunk, 128), jnp.float32),
            pltpu.VMEM((chunk, 128), jnp.float32),
            pltpu.SemaphoreType.DMA,
            pltpu.SemaphoreType.DMA,
            pltpu.SemaphoreType.DMA,
            pltpu.SemaphoreType.DMA,
            pltpu.SemaphoreType.DMA,
            pltpu.SemaphoreType.DMA,
        ],
        compiler_params=pltpu.CompilerParams(needs_layout_passes=False),
    )
    def k(table_hbm, tail_hbm, idx_hbm, out_hbm,
          idx_v, w0, w1, t0, t1, gh0, gh1, gt0, gt1, ws0, ws1):
        wid = lax.axis_index("s") * _NC + lax.axis_index("c")
        base = wid * n_per_w
        pltpu.sync_copy(idx_hbm.at[pl.ds(base, n_per_w)], idx_v)
        head = table_hbm.at[:, pl.ds(0, _SPLIT)]
        wbufs, tbufs = (w0, w1), (t0, t1)
        whs = (w0.at[:, pl.ds(0, _SPLIT)], w1.at[:, pl.ds(0, _SPLIT)])
        ghs, gts, wss = (gh0, gh1), (gt0, gt1), (ws0, ws1)

        def gstart(c, b):
            isl = idx_v.at[pl.ds(c * chunk, chunk)]
            pltpu.async_copy(head.at[isl], whs[b], ghs[b])
            pltpu.async_copy(tail_hbm.at[isl], tbufs[b], gts[b])

        def gwait(b):
            pltpu.make_async_copy(head.at[pl.ds(0, chunk)], whs[b], ghs[b]).wait()
            pltpu.make_async_copy(tail_hbm.at[pl.ds(0, chunk)], tbufs[b], gts[b]).wait()

        def wstart(c, b):
            pltpu.async_copy(
                wbufs[b], out_hbm.at[pl.ds(base + c * chunk, chunk)], wss[b]
            )

        def wwait(b):
            pltpu.make_async_copy(
                wbufs[b], out_hbm.at[pl.ds(base, chunk)], wss[b]
            ).wait()

        def vtail(b):
            t, w = tbufs[b], wbufs[b]

            def rcopy(i, carry):
                w[i, pl.ds(_SPLIT, 16)] = t[i, pl.ds(0, 16)]
                w[i, pl.ds(_SPLIT + 16, 16)] = t[i, pl.ds(16, 16)]
                lanes = lax.iota(jnp.int32, 16)
                plsc.store_scatter(
                    w,
                    [jnp.full((16,), i, jnp.int32), _SPLIT + 32 + lanes],
                    t[i, pl.ds(32, 16)],
                    mask=lanes < _TAIL - 32,
                )
                return carry

            lax.fori_loop(0, chunk, rcopy, 0, unroll=2)

        gstart(0, 0)

        def body(g, carry):
            for b in range(2):
                c = 2 * g + b
                gwait(b)

                @pl.when(c >= 1)
                def _():
                    wwait(1 - b)

                @pl.when(c + 1 < nchunks)
                def _():
                    gstart(c + 1, 1 - b)

                vtail(b)
                wstart(c, b)
            return carry

        lax.fori_loop(0, nchunks // 2, body, 0)
        wwait(1)

    return k(table, tail_tab, idx)


def kernel(sequence, segment_label, token_table):
    B, L = sequence.shape
    n_total = B * L
    seq = sequence.reshape(n_total).astype(jnp.int32)
    tail_tab = jnp.pad(token_table[:, _SPLIT:], ((0, 0), (0, 128 - _TAIL)))
    out = _gather(token_table, tail_tab, seq, n_total // _NW, 80)
    return out.reshape(B, L, _EMBED)

# --- scband reference (transcript-rebuilt; emitter-appended) ---
"""Pipeline reference for scband-bertembedding-57080115364628 (READ-ONLY COPY).

The authoritative reference and input builder live on the scoring server;
editing this copy changes nothing except your own understanding.
"""

import jax, jax.numpy as jnp
import numpy as np

VOCAB = 100000
EMBED = 300  # GloVe embedding_dim; forward only uses token embedding
B, L = 4096, 200

def setup_inputs(seed: int = 0) -> dict:
    key = jax.random.key(seed)
    k1, k2, k3 = jax.random.split(key, 3)
    sequence = jax.random.randint(k1, (B, L), 0, VOCAB, dtype=jnp.int64 if jax.config.read('jax_enable_x64') else jnp.int32)
    segment_label = jax.random.randint(k2, (B, L), 0, 3, dtype=jnp.int32)
    token_table = jax.random.normal(k3, (VOCAB, EMBED), dtype=jnp.float32) * 0.02
    return {"sequence": sequence, "segment_label": segment_label, "token_table": token_table}

def reference(sequence, segment_label, token_table):
    # BERTEmbedding.forward: x = self.token(sequence); return x
    # (positional/segment embeddings and dropout are constructed but NOT applied)
    x = jnp.take(token_table, sequence, axis=0)
    return x

if __name__ == "__main__":
    import jax
    _d = setup_inputs()
    print(jax.jit(kernel)(*tuple(_d.values())))

</pallas_src>

<mosaic_0001>
#map = affine_map<(d0, d1) -> (0, 0)>
#map1 = affine_map<(d0, d1) -> (0)>
module attributes {stable_mosaic.version = 14 : i64} {
  func.func @k(%arg0: i32, %arg1: i32, %arg2: memref<100000x300xf32, #tpu.memory_space<hbm>>, %arg3: memref<100000x128xf32, #tpu.memory_space<hbm>>, %arg4: memref<819200xi32, #tpu.memory_space<hbm>>, %arg5: memref<819200x300xf32, #tpu.memory_space<hbm>>, %arg6: memref<25600xi32, #tpu.memory_space<vmem>>, %arg7: memref<80x300xf32, #tpu.memory_space<vmem>>, %arg8: memref<80x300xf32, #tpu.memory_space<vmem>>, %arg9: memref<80x128xf32, #tpu.memory_space<vmem>>, %arg10: memref<80x128xf32, #tpu.memory_space<vmem>>, %arg11: memref<!tpu.dma_semaphore, #tpu.memory_space<semaphore_mem>>, %arg12: memref<!tpu.dma_semaphore, #tpu.memory_space<semaphore_mem>>, %arg13: memref<!tpu.dma_semaphore, #tpu.memory_space<semaphore_mem>>, %arg14: memref<!tpu.dma_semaphore, #tpu.memory_space<semaphore_mem>>, %arg15: memref<!tpu.dma_semaphore, #tpu.memory_space<semaphore_mem>>, %arg16: memref<!tpu.dma_semaphore, #tpu.memory_space<semaphore_mem>>) attributes {dimension_semantics = [#tpu.dimension_semantics<core_parallel>, #tpu.dimension_semantics<subcore_parallel>], iteration_bounds = array<i64: 2, 16>, scalar_prefetch = 0 : i64, scratch_operands = 11 : i64, tpu.core_type = #tpu.core_type<sc_vector_subcore>, window_params = [{transform_indices = #map}, {transform_indices = #map}, {transform_indices = #map1}, {transform_indices = #map}]} {
    %mul3A = arith.constant 2 : i32
    %mul3A_0 = arith.muli %arg1, %mul3A : i32
    %add3A = arith.addi %mul3A_0, %arg0 : i32
    %mul3A_1 = arith.constant 25600 : i32
    %mul3A_2 = arith.muli %add3A, %mul3A_1 : i32
    "tpu.region"() ({
      %run_scoped3A = tpu.sem_alloc : memref<!tpu.dma_semaphore, #tpu.memory_space<semaphore_mem>>
      %dma_start3A_26 = tpu.memref_slice %arg4[%mul3A_2] : memref<819200xi32, #tpu.memory_space<hbm>> -> memref<25600xi32, #tpu.memory_space<hbm>>
      %dma_start3A_27 = tpu.memref_slice %arg4[%mul3A_2] : memref<819200xi32, #tpu.memory_space<hbm>> -> memref<25600xi32, #tpu.memory_space<hbm>>
      tpu.enqueue_dma source(%dma_start3A_27 : memref<25600xi32, #tpu.memory_space<hbm>>) target(%arg6 : memref<25600xi32, #tpu.memory_space<vmem>>) target_semaphore(%run_scoped3A : memref<!tpu.dma_semaphore, #tpu.memory_space<semaphore_mem>>)
      %dma_wait3A_28 = tpu.memref_slice %arg4[%mul3A_2] : memref<819200xi32, #tpu.memory_space<hbm>> -> memref<25600xi32, #tpu.memory_space<hbm>>
      %dma_wait3A_29 = tpu.memref_slice %arg4[%mul3A_2] : memref<819200xi32, #tpu.memory_space<hbm>> -> memref<25600xi32, #tpu.memory_space<hbm>>
      tpu.wait_dma2 semaphore(%run_scoped3A : memref<!tpu.dma_semaphore, #tpu.memory_space<semaphore_mem>>) src(%dma_wait3A_29 : memref<25600xi32, #tpu.memory_space<hbm>>) dst(%arg6 : memref<25600xi32, #tpu.memory_space<vmem>>)
      tpu.yield
    }) : () -> ()
    %dma_start3A = arith.constant 0 : i32
    %dma_start3A_3 = arith.constant 0 : i32
    %dma_start3A_4 = tpu.memref_slice %arg7[%dma_start3A, %dma_start3A_3] : memref<80x300xf32, #tpu.memory_space<vmem>> -> memref<80x256xf32, #tpu.memory_space<vmem>>
    %dma_start3A_5 = arith.constant 0 : i32
    %dma_start3A_6 = tpu.memref_slice %arg6[%dma_start3A_5] : memref<25600xi32, #tpu.memory_space<vmem>> -> memref<80xi32, #tpu.memory_space<vmem>>
    %dma_start3A_7 = arith.constant 0 : i32
    %dma_start3A_8 = arith.constant 0 : i32
    %dma_start3A_9 = tpu.memref_slice %arg2[%dma_start3A_7, %dma_start3A_8] : memref<100000x300xf32, #tpu.memory_space<hbm>> -> memref<100000x256xf32, #tpu.memory_space<hbm>>
    %dma_start3A_10 = arith.constant 0 : i32
    %dma_start3A_11 = arith.constant 0 : i32
    %dma_start3A_12 = tpu.memref_slice %dma_start3A_9[%dma_start3A_10, %dma_start3A_11] : memref<100000x256xf32, #tpu.memory_space<hbm>> -> memref<100000x256xf32, #tpu.memory_space<hbm>>
    tpu.enqueue_indirect_dma source(%dma_start3A_12 : memref<100000x256xf32, #tpu.memory_space<hbm>>) target(%dma_start3A_4 : memref<80x256xf32, #tpu.memory_space<vmem>>) offsets(%dma_start3A_6 : memref<80xi32, #tpu.memory_space<vmem>>) semaphore(%arg11 : memref<!tpu.dma_semaphore, #tpu.memory_space<semaphore_mem>>)
    %dma_start3A_13 = arith.constant 0 : i32
    %dma_start3A_14 = tpu.memref_slice %arg6[%dma_start3A_13] : memref<25600xi32, #tpu.memory_space<vmem>> -> memref<80xi32, #tpu.memory_space<vmem>>
    %dma_start3A_15 = arith.constant 0 : i32
    %dma_start3A_16 = arith.constant 0 : i32
    %dma_start3A_17 = tpu.memref_slice %arg3[%dma_start3A_15, %dma_start3A_16] : memref<100000x128xf32, #tpu.memory_space<hbm>> -> memref<100000x128xf32, #tpu.memory_space<hbm>>
    tpu.enqueue_indirect_dma source(%dma_start3A_17 : memref<100000x128xf32, #tpu.memory_space<hbm>>) target(%arg9 : memref<80x128xf32, #tpu.memory_space<vmem>>) offsets(%dma_start3A_14 : memref<80xi32, #tpu.memory_space<vmem>>) semaphore(%arg13 : memref<!tpu.dma_semaphore, #tpu.memory_space<semaphore_mem>>)
    %scan3A = arith.constant 0 : i32
    %scan3A_18 = arith.constant 0 : i32
    %scan3A_19 = arith.constant 160 : i32
    %scan3A_20 = arith.addi %scan3A_18, %scan3A_19 : i32
    %scan3A_21 = arith.constant 1 : i32
    scf.for %scan3A_26 = %scan3A_18 to %scan3A_20 step %scan3A_21  : i32 {
      %mul3A_27 = arith.constant 2 : i32
      %mul3A_28 = arith.muli %mul3A_27, %scan3A_26 : i32
      %add3A_29 = arith.constant 0 : i32
      %add3A_30 = arith.addi %mul3A_28, %add3A_29 : i32
      %dma_wait3A_31 = arith.constant 0 : i32
      %dma_wait3A_32 = arith.constant 0 : i32
      %dma_wait3A_33 = tpu.memref_slice %arg7[%dma_wait3A_31, %dma_wait3A_32] : memref<80x300xf32, #tpu.memory_space<vmem>> -> memref<80x256xf32, #tpu.memory_space<vmem>>
      %dma_wait3A_34 = arith.constant 0 : i32
      %dma_wait3A_35 = arith.constant 0 : i32
      %dma_wait3A_36 = tpu.memref_slice %arg2[%dma_wait3A_34, %dma_wait3A_35] : memref<100000x300xf32, #tpu.memory_space<hbm>> -> memref<100000x256xf32, #tpu.memory_space<hbm>>
      %dma_wait3A_37 = arith.constant 0 : i32
      %dma_wait3A_38 = arith.constant 0 : i32
      %dma_wait3A_39 = tpu.memref_slice %dma_wait3A_36[%dma_wait3A_37, %dma_wait3A_38] : memref<100000x256xf32, #tpu.memory_space<hbm>> -> memref<80x256xf32, #tpu.memory_space<hbm>>
      %dma_wait3A_40 = arith.constant 0 : i32
      %dma_wait3A_41 = arith.constant 0 : i32
      %dma_wait3A_42 = tpu.memref_slice %arg7[%dma_wait3A_40, %dma_wait3A_41] : memref<80x300xf32, #tpu.memory_space<vmem>> -> memref<80x256xf32, #tpu.memory_space<vmem>>
      %dma_wait3A_43 = arith.constant 0 : i32
      %dma_wait3A_44 = arith.constant 0 : i32
      %dma_wait3A_45 = tpu.memref_slice %arg2[%dma_wait3A_43, %dma_wait3A_44] : memref<100000x300xf32, #tpu.memory_space<hbm>> -> memref<100000x256xf32, #tpu.memory_space<hbm>>
      %dma_wait3A_46 = arith.constant 0 : i32
      %dma_wait3A_47 = arith.constant 0 : i32
      %dma_wait3A_48 = tpu.memref_slice %dma_wait3A_45[%dma_wait3A_46, %dma_wait3A_47] : memref<100000x256xf32, #tpu.memory_space<hbm>> -> memref<80x256xf32, #tpu.memory_space<hbm>>
      tpu.wait_dma2 semaphore(%arg11 : memref<!tpu.dma_semaphore, #tpu.memory_space<semaphore_mem>>) src(%dma_wait3A_48 : memref<80x256xf32, #tpu.memory_space<hbm>>) dst(%dma_wait3A_42 : memref<80x256xf32, #tpu.memory_space<vmem>>)
      %dma_wait3A_49 = arith.constant 0 : i32
      %dma_wait3A_50 = arith.constant 0 : i32
      %dma_wait3A_51 = tpu.memref_slice %arg3[%dma_wait3A_49, %dma_wait3A_50] : memref<100000x128xf32, #tpu.memory_space<hbm>> -> memref<80x128xf32, #tpu.memory_space<hbm>>
      %dma_wait3A_52 = arith.constant 0 : i32
      %dma_wait3A_53 = arith.constant 0 : i32
      %dma_wait3A_54 = tpu.memref_slice %arg3[%dma_wait3A_52, %dma_wait3A_53] : memref<100000x128xf32, #tpu.memory_space<hbm>> -> memref<80x128xf32, #tpu.memory_space<hbm>>
      tpu.wait_dma2 semaphore(%arg13 : memref<!tpu.dma_semaphore, #tpu.memory_space<semaphore_mem>>) src(%dma_wait3A_54 : memref<80x128xf32, #tpu.memory_space<hbm>>) dst(%arg9 : memref<80x128xf32, #tpu.memory_space<vmem>>)
      %ge3A = arith.constant 1 : i32
      %ge3A_55 = arith.cmpi sge, %add3A_30, %ge3A : i32
      %convert_element_type3A = arith.extui %ge3A_55 : i1 to i32
      %cond3A = arith.constant 0 : i32
      %cond3A_56 = arith.cmpi ne, %convert_element_type3A, %cond3A : i32
      scf.if %cond3A_56 {
        %dma_wait3A_129 = arith.constant 0 : i32
        %dma_wait3A_130 = tpu.memref_slice %arg5[%mul3A_2, %dma_wait3A_129] : memref<819200x300xf32, #tpu.memory_space<hbm>> -> memref<80x300xf32, #tpu.memory_space<hbm>>
        %dma_wait3A_131 = arith.constant 0 : i32
        %dma_wait3A_132 = tpu.memref_slice %arg5[%mul3A_2, %dma_wait3A_131] : memref<819200x300xf32, #tpu.memory_space<hbm>> -> memref<80x300xf32, #tpu.memory_space<hbm>>
        tpu.wait_dma2 semaphore(%arg16 : memref<!tpu.dma_semaphore, #tpu.memory_space<semaphore_mem>>) src(%arg8 : memref<80x300xf32, #tpu.memory_space<vmem>>) dst(%dma_wait3A_132 : memref<80x300xf32, #tpu.memory_space<hbm>>)
      } else {
      }
      %add3A_57 = arith.constant 1 : i32
      %add3A_58 = arith.addi %add3A_30, %add3A_57 : i32
      %lt3A = arith.constant 320 : i32
      %lt3A_59 = arith.cmpi slt, %add3A_58, %lt3A : i32
      %convert_element_type3A_60 = arith.extui %lt3A_59 : i1 to i32
      %cond3A_61 = arith.constant 0 : i32
      %cond3A_62 = arith.cmpi ne, %convert_element_type3A_60, %cond3A_61 : i32
      scf.if %cond3A_62 {
        %add3A_129 = arith.constant 1 : i32
        %add3A_130 = arith.addi %add3A_30, %add3A_129 : i32
        %mul3A_131 = arith.constant 80 : i32
        %mul3A_132 = arith.muli %add3A_130, %mul3A_131 : i32
        %dma_start3A_133 = arith.constant 0 : i32
        %dma_start3A_134 = arith.constant 0 : i32
        %dma_start3A_135 = tpu.memref_slice %arg8[%dma_start3A_133, %dma_start3A_134] : memref<80x300xf32, #tpu.memory_space<vmem>> -> memref<80x256xf32, #tpu.memory_space<vmem>>
        %dma_start3A_136 = tpu.memref_slice %arg6[%mul3A_132] : memref<25600xi32, #tpu.memory_space<vmem>> -> memref<80xi32, #tpu.memory_space<vmem>>
        %dma_start3A_137 = arith.constant 0 : i32
        %dma_start3A_138 = arith.constant 0 : i32
        %dma_start3A_139 = tpu.memref_slice %arg2[%dma_start3A_137, %dma_start3A_138] : memref<100000x300xf32, #tpu.memory_space<hbm>> -> memref<100000x256xf32, #tpu.memory_space<hbm>>
        %dma_start3A_140 = arith.constant 0 : i32
        %dma_start3A_141 = arith.constant 0 : i32
        %dma_start3A_142 = tpu.memref_slice %dma_start3A_139[%dma_start3A_140, %dma_start3A_141] : memref<100000x256xf32, #tpu.memory_space<hbm>> -> memref<100000x256xf32, #tpu.memory_space<hbm>>
        tpu.enqueue_indirect_dma source(%dma_start3A_142 : memref<100000x256xf32, #tpu.memory_space<hbm>>) target(%dma_start3A_135 : memref<80x256xf32, #tpu.memory_space<vmem>>) offsets(%dma_start3A_136 : memref<80xi32, #tpu.memory_space<vmem>>) semaphore(%arg12 : memref<!tpu.dma_semaphore, #tpu.memory_space<semaphore_mem>>)
        %dma_start3A_143 = tpu.memref_slice %arg6[%mul3A_132] : memref<25600xi32, #tpu.memory_space<vmem>> -> memref<80xi32, #tpu.memory_space<vmem>>
        %dma_start3A_144 = arith.constant 0 : i32
        %dma_start3A_145 = arith.constant 0 : i32
        %dma_start3A_146 = tpu.memref_slice %arg3[%dma_start3A_144, %dma_start3A_145] : memref<100000x128xf32, #tpu.memory_space<hbm>> -> memref<100000x128xf32, #tpu.memory_space<hbm>>
        tpu.enqueue_indirect_dma source(%dma_start3A_146 : memref<100000x128xf32, #tpu.memory_space<hbm>>) target(%arg10 : memref<80x128xf32, #tpu.memory_space<vmem>>) offsets(%dma_start3A_143 : memref<80xi32, #tpu.memory_space<vmem>>) semaphore(%arg14 : memref<!tpu.dma_semaphore, #tpu.memory_space<semaphore_mem>>)
      } else {
      }
      %scan3A_63 = arith.constant 0 : i32
      %scan3A_64 = arith.constant 0 : i32
      %scan3A_65 = arith.constant 80 : i32
      %scan3A_66 = arith.addi %scan3A_64, %scan3A_65 : i32
      %scan3A_67 = arith.constant 2 : i32
      scf.for %scan3A_129 = %scan3A_64 to %scan3A_66 step %scan3A_67  : i32 {
        %get3A = arith.index_cast %scan3A_129 : i32 to index
        %get3A_130 = arith.constant 0 : index
        %get3A_131 = tpu.vector_load %arg9[%get3A, %get3A_130] {strides = array<i32>} : memref<80x128xf32, #tpu.memory_space<vmem>>, vector<16xf32>,
        %swap3A = arith.index_cast %scan3A_129 : i32 to index
        %swap3A_132 = arith.constant 256 : index
        %swap3A_133 = tpu.vector_load %arg7[%swap3A, %swap3A_132] {strides = array<i32>} : memref<80x300xf32, #tpu.memory_space<vmem>>, vector<16xf32>,
        tpu.vector_store %arg7[%swap3A, %swap3A_132], %get3A_131 {strides = array<i32>} : memref<80x300xf32, #tpu.memory_space<vmem>>, vector<16xf32>,
        %get3A_134 = arith.index_cast %scan3A_129 : i32 to index
        %get3A_135 = arith.constant 16 : index
        %get3A_136 = tpu.vector_load %arg9[%get3A_134, %get3A_135] {strides = array<i32>} : memref<80x128xf32, #tpu.memory_space<vmem>>, vector<16xf32>,
        %swap3A_137 = arith.index_cast %scan3A_129 : i32 to index
        %swap3A_138 = arith.constant 272 : index
        %swap3A_139 = tpu.vector_load %arg7[%swap3A_137, %swap3A_138] {strides = array<i32>} : memref<80x300xf32, #tpu.memory_space<vmem>>, vector<16xf32>,
        tpu.vector_store %arg7[%swap3A_137, %swap3A_138], %get3A_136 {strides = array<i32>} : memref<80x300xf32, #tpu.memory_space<vmem>>, vector<16xf32>,
        %iota3A = tpu.iota {dimensions = array<i32: 0>} : vector<16xi32>
        %broadcast_in_dim3A = vector.broadcast %scan3A_129 : i32 to vector<16xi32>
        %add3A_140 = arith.constant 288 : i32
        %add3A_141 = vector.broadcast %add3A_140 : i32 to vector<16xi32>
        %add3A_142 = arith.addi %add3A_141, %iota3A : vector<16xi32>
        %get3A_143 = arith.index_cast %scan3A_129 : i32 to index
        %get3A_144 = arith.constant 32 : index
        %get3A_145 = tpu.vector_load %arg9[%get3A_143, %get3A_144] {strides = array<i32>} : memref<80x128xf32, #tpu.memory_space<vmem>>, vector<16xf32>,
        %lt3A_146 = arith.constant 12 : i32
        %lt3A_147 = vector.broadcast %lt3A_146 : i32 to vector<16xi32>
        %lt3A_148 = arith.cmpi slt, %iota3A, %lt3A_147 : vector<16xi32>
        tpu.vector_store_idx %arg7[%broadcast_in_dim3A, %add3A_142], %get3A_145 masked %lt3A_148 : memref<80x300xf32, #tpu.memory_space<vmem>>[vector<16xi32>, vector<16xi32>], vector<16xf32>, vector<16xi1>
        %scan3A_149 = arith.constant 1 : i32
        %scan3A_150 = arith.addi %scan3A_129, %scan3A_149 : i32
        %get3A_151 = arith.index_cast %scan3A_150 : i32 to index
        %get3A_152 = arith.constant 0 : index
        %get3A_153 = tpu.vector_load %arg9[%get3A_151, %get3A_152] {strides = array<i32>} : memref<80x128xf32, #tpu.memory_space<vmem>>, vector<16xf32>,
        %swap3A_154 = arith.index_cast %scan3A_150 : i32 to index
        %swap3A_155 = arith.constant 256 : index
        %swap3A_156 = tpu.vector_load %arg7[%swap3A_154, %swap3A_155] {strides = array<i32>} : memref<80x300xf32, #tpu.memory_space<vmem>>, vector<16xf32>,
        tpu.vector_store %arg7[%swap3A_154, %swap3A_155], %get3A_153 {strides = array<i32>} : memref<80x300xf32, #tpu.memory_space<vmem>>, vector<16xf32>,
        %get3A_157 = arith.index_cast %scan3A_150 : i32 to index
        %get3A_158 = arith.constant 16 : index
        %get3A_159 = tpu.vector_load %arg9[%get3A_157, %get3A_158] {strides = array<i32>} : memref<80x128xf32, #tpu.memory_space<vmem>>, vector<16xf32>,
        %swap3A_160 = arith.index_cast %scan3A_150 : i32 to index
        %swap3A_161 = arith.constant 272 : index
        %swap3A_162 = tpu.vector_load %arg7[%swap3A_160, %swap3A_161] {strides = array<i32>} : memref<80x300xf32, #tpu.memory_space<vmem>>, vector<16xf32>,
        tpu.vector_store %arg7[%swap3A_160, %swap3A_161], %get3A_159 {strides = array<i32>} : memref<80x300xf32, #tpu.memory_space<vmem>>, vector<16xf32>,
        %iota3A_163 = tpu.iota {dimensions = array<i32: 0>} : vector<16xi32>
        %broadcast_in_dim3A_164 = vector.broadcast %scan3A_150 : i32 to vector<16xi32>
        %add3A_165 = arith.constant 288 : i32
        %add3A_166 = vector.broadcast %add3A_165 : i32 to vector<16xi32>
        %add3A_167 = arith.addi %add3A_166, %iota3A_163 : vector<16xi32>
        %get3A_168 = arith.index_cast %scan3A_150 : i32 to index
        %get3A_169 = arith.constant 32 : index
        %get3A_170 = tpu.vector_load %arg9[%get3A_168, %get3A_169] {strides = array<i32>} : memref<80x128xf32, #tpu.memory_space<vmem>>, vector<16xf32>,
        %lt3A_171 = arith.constant 12 : i32
        %lt3A_172 = vector.broadcast %lt3A_171 : i32 to vector<16xi32>
        %lt3A_173 = arith.cmpi slt, %iota3A_163, %lt3A_172 : vector<16xi32>
        tpu.vector_store_idx %arg7[%broadcast_in_dim3A_164, %add3A_167], %get3A_170 masked %lt3A_173 : memref<80x300xf32, #tpu.memory_space<vmem>>[vector<16xi32>, vector<16xi32>], vector<16xf32>, vector<16xi1>
      }
      %scan3A_68 = arith.constant 80 : i32
      %mul3A_69 = arith.constant 80 : i32
      %mul3A_70 = arith.muli %add3A_30, %mul3A_69 : i32
      %add3A_71 = arith.addi %mul3A_2, %mul3A_70 : i32
      %dma_start3A_72 = arith.constant 0 : i32
      %dma_start3A_73 = tpu.memref_slice %arg5[%add3A_71, %dma_start3A_72] : memref<819200x300xf32, #tpu.memory_space<hbm>> -> memref<80x300xf32, #tpu.memory_space<hbm>>
      %dma_start3A_74 = arith.constant 0 : i32
      %dma_start3A_75 = tpu.memref_slice %arg5[%add3A_71, %dma_start3A_74] : memref<819200x300xf32, #tpu.memory_space<hbm>> -> memref<80x300xf32, #tpu.memory_space<hbm>>
      tpu.enqueue_dma source(%arg7 : memref<80x300xf32, #tpu.memory_space<vmem>>) target(%dma_start3A_75 : memref<80x300xf32, #tpu.memory_space<hbm>>) target_semaphore(%arg15 : memref<!tpu.dma_semaphore, #tpu.memory_space<semaphore_mem>>)
      %mul3A_76 = arith.constant 2 : i32
      %mul3A_77 = arith.muli %mul3A_76, %scan3A_26 : i32
      %add3A_78 = arith.constant 1 : i32
      %add3A_79 = arith.addi %mul3A_77, %add3A_78 : i32
      %dma_wait3A_80 = arith.constant 0 : i32
      %dma_wait3A_81 = arith.constant 0 : i32
      %dma_wait3A_82 = tpu.memref_slice %arg8[%dma_wait3A_80, %dma_wait3A_81] : memref<80x300xf32, #tpu.memory_space<vmem>> -> memref<80x256xf32, #tpu.memory_space<vmem>>
      %dma_wait3A_83 = arith.constant 0 : i32
      %dma_wait3A_84 = arith.constant 0 : i32
      %dma_wait3A_85 = tpu.memref_slice %arg2[%dma_wait3A_83, %dma_wait3A_84] : memref<100000x300xf32, #tpu.memory_space<hbm>> -> memref<100000x256xf32, #tpu.memory_space<hbm>>
      %dma_wait3A_86 = arith.constant 0 : i32
      %dma_wait3A_87 = arith.constant 0 : i32
      %dma_wait3A_88 = tpu.memref_slice %dma_wait3A_85[%dma_wait3A_86, %dma_wait3A_87] : memref<100000x256xf32, #tpu.memory_space<hbm>> -> memref<80x256xf32, #tpu.memory_space<hbm>>
      %dma_wait3A_89 = arith.constant 0 : i32
      %dma_wait3A_90 = arith.constant 0 : i32
      %dma_wait3A_91 = tpu.memref_slice %arg8[%dma_wait3A_89, %dma_wait3A_90] : memref<80x300xf32, #tpu.memory_space<vmem>> -> memref<80x256xf32, #tpu.memory_space<vmem>>
      %dma_wait3A_92 = arith.constant 0 : i32
      %dma_wait3A_93 = arith.constant 0 : i32
      %dma_wait3A_94 = tpu.memref_slice %arg2[%dma_wait3A_92, %dma_wait3A_93] : memref<100000x300xf32, #tpu.memory_space<hbm>> -> memref<100000x256xf32, #tpu.memory_space<hbm>>
      %dma_wait3A_95 = arith.constant 0 : i32
      %dma_wait3A_96 = arith.constant 0 : i32
      %dma_wait3A_97 = tpu.memref_slice %dma_wait3A_94[%dma_wait3A_95, %dma_wait3A_96] : memref<100000x256xf32, #tpu.memory_space<hbm>> -> memref<80x256xf32, #tpu.memory_space<hbm>>
      tpu.wait_dma2 semaphore(%arg12 : memref<!tpu.dma_semaphore, #tpu.memory_space<semaphore_mem>>) src(%dma_wait3A_97 : memref<80x256xf32, #tpu.memory_space<hbm>>) dst(%dma_wait3A_91 : memref<80x256xf32, #tpu.memory_space<vmem>>)
      %dma_wait3A_98 = arith.constant 0 : i32
      %dma_wait3A_99 = arith.constant 0 : i32
      %dma_wait3A_100 = tpu.memref_slice %arg3[%dma_wait3A_98, %dma_wait3A_99] : memref<100000x128xf32, #tpu.memory_space<hbm>> -> memref<80x128xf32, #tpu.memory_space<hbm>>
      %dma_wait3A_101 = arith.constant 0 : i32
      %dma_wait3A_102 = arith.constant 0 : i32
      %dma_wait3A_103 = tpu.memref_slice %arg3[%dma_wait3A_101, %dma_wait3A_102] : memref<100000x128xf32, #tpu.memory_space<hbm>> -> memref<80x128xf32, #tpu.memory_space<hbm>>
      tpu.wait_dma2 semaphore(%arg14 : memref<!tpu.dma_semaphore, #tpu.memory_space<semaphore_mem>>) src(%dma_wait3A_103 : memref<80x128xf32, #tpu.memory_space<hbm>>) dst(%arg10 : memref<80x128xf32, #tpu.memory_space<vmem>>)
      %ge3A_104 = arith.constant 1 : i32
      %ge3A_105 = arith.cmpi sge, %add3A_79, %ge3A_104 : i32
      %convert_element_type3A_106 = arith.extui %ge3A_105 : i1 to i32
      %cond3A_107 = arith.constant 0 : i32
      %cond3A_108 = arith.cmpi ne, %convert_element_type3A_106, %cond3A_107 : i32
      scf.if %cond3A_108 {
        %dma_wait3A_129 = arith.constant 0 : i32
        %dma_wait3A_130 = tpu.memref_slice %arg5[%mul3A_2, %dma_wait3A_129] : memref<819200x300xf32, #tpu.memory_space<hbm>> -> memref<80x300xf32, #tpu.memory_space<hbm>>
        %dma_wait3A_131 = arith.constant 0 : i32
        %dma_wait3A_132 = tpu.memref_slice %arg5[%mul3A_2, %dma_wait3A_131] : memref<819200x300xf32, #tpu.memory_space<hbm>> -> memref<80x300xf32, #tpu.memory_space<hbm>>
        tpu.wait_dma2 semaphore(%arg15 : memref<!tpu.dma_semaphore, #tpu.memory_space<semaphore_mem>>) src(%arg7 : memref<80x300xf32, #tpu.memory_space<vmem>>) dst(%dma_wait3A_132 : memref<80x300xf32, #tpu.memory_space<hbm>>)
      } else {
      }
      %add3A_109 = arith.constant 1 : i32
      %add3A_110 = arith.addi %add3A_79, %add3A_109 : i32
      %lt3A_111 = arith.constant 320 : i32
      %lt3A_112 = arith.cmpi slt, %add3A_110, %lt3A_111 : i32
      %convert_element_type3A_113 = arith.extui %lt3A_112 : i1 to i32
      %cond3A_114 = arith.constant 0 : i32
      %cond3A_115 = arith.cmpi ne, %convert_element_type3A_113, %cond3A_114 : i32
      scf.if %cond3A_115 {
        %add3A_129 = arith.constant 1 : i32
        %add3A_130 = arith.addi %add3A_79, %add3A_129 : i32
        %mul3A_131 = arith.constant 80 : i32
        %mul3A_132 = arith.muli %add3A_130, %mul3A_131 : i32
        %dma_start3A_133 = arith.constant 0 : i32
        %dma_start3A_134 = arith.constant 0 : i32
        %dma_start3A_135 = tpu.memref_slice %arg7[%dma_start3A_133, %dma_start3A_134] : memref<80x300xf32, #tpu.memory_space<vmem>> -> memref<80x256xf32, #tpu.memory_space<vmem>>
        %dma_start3A_136 = tpu.memref_slice %arg6[%mul3A_132] : memref<25600xi32, #tpu.memory_space<vmem>> -> memref<80xi32, #tpu.memory_space<vmem>>
        %dma_start3A_137 = arith.constant 0 : i32
        %dma_start3A_138 = arith.constant 0 : i32
        %dma_start3A_139 = tpu.memref_slice %arg2[%dma_start3A_137, %dma_start3A_138] : memref<100000x300xf32, #tpu.memory_space<hbm>> -> memref<100000x256xf32, #tpu.memory_space<hbm>>
        %dma_start3A_140 = arith.constant 0 : i32
        %dma_start3A_141 = arith.constant 0 : i32
        %dma_start3A_142 = tpu.memref_slice %dma_start3A_139[%dma_start3A_140, %dma_start3A_141] : memref<100000x256xf32, #tpu.memory_space<hbm>> -> memref<100000x256xf32, #tpu.memory_space<hbm>>
        tpu.enqueue_indirect_dma source(%dma_start3A_142 : memref<100000x256xf32, #tpu.memory_space<hbm>>) target(%dma_start3A_135 : memref<80x256xf32, #tpu.memory_space<vmem>>) offsets(%dma_start3A_136 : memref<80xi32, #tpu.memory_space<vmem>>) semaphore(%arg11 : memref<!tpu.dma_semaphore, #tpu.memory_space<semaphore_mem>>)
        %dma_start3A_143 = tpu.memref_slice %arg6[%mul3A_132] : memref<25600xi32, #tpu.memory_space<vmem>> -> memref<80xi32, #tpu.memory_space<vmem>>
        %dma_start3A_144 = arith.constant 0 : i32
        %dma_start3A_145 = arith.constant 0 : i32
        %dma_start3A_146 = tpu.memref_slice %arg3[%dma_start3A_144, %dma_start3A_145] : memref<100000x128xf32, #tpu.memory_space<hbm>> -> memref<100000x128xf32, #tpu.memory_space<hbm>>
        tpu.enqueue_indirect_dma source(%dma_start3A_146 : memref<100000x128xf32, #tpu.memory_space<hbm>>) target(%arg9 : memref<80x128xf32, #tpu.memory_space<vmem>>) offsets(%dma_start3A_143 : memref<80xi32, #tpu.memory_space<vmem>>) semaphore(%arg13 : memref<!tpu.dma_semaphore, #tpu.memory_space<semaphore_mem>>)
      } else {
      }
      %scan3A_116 = arith.constant 0 : i32
      %scan3A_117 = arith.constant 0 : i32
      %scan3A_118 = arith.constant 80 : i32
      %scan3A_119 = arith.addi %scan3A_117, %scan3A_118 : i32
      %scan3A_120 = arith.constant 2 : i32
      scf.for %scan3A_129 = %scan3A_117 to %scan3A_119 step %scan3A_120  : i32 {
        %get3A = arith.index_cast %scan3A_129 : i32 to index
        %get3A_130 = arith.constant 0 : index
        %get3A_131 = tpu.vector_load %arg10[%get3A, %get3A_130] {strides = array<i32>} : memref<80x128xf32, #tpu.memory_space<vmem>>, vector<16xf32>,
        %swap3A = arith.index_cast %scan3A_129 : i32 to index
        %swap3A_132 = arith.constant 256 : index
        %swap3A_133 = tpu.vector_load %arg8[%swap3A, %swap3A_132] {strides = array<i32>} : memref<80x300xf32, #tpu.memory_space<vmem>>, vector<16xf32>,
        tpu.vector_store %arg8[%swap3A, %swap3A_132], %get3A_131 {strides = array<i32>} : memref<80x300xf32, #tpu.memory_space<vmem>>, vector<16xf32>,
        %get3A_134 = arith.index_cast %scan3A_129 : i32 to index
        %get3A_135 = arith.constant 16 : index
        %get3A_136 = tpu.vector_load %arg10[%get3A_134, %get3A_135] {strides = array<i32>} : memref<80x128xf32, #tpu.memory_space<vmem>>, vector<16xf32>,
        %swap3A_137 = arith.index_cast %scan3A_129 : i32 to index
        %swap3A_138 = arith.constant 272 : index
        %swap3A_139 = tpu.vector_load %arg8[%swap3A_137, %swap3A_138] {strides = array<i32>} : memref<80x300xf32, #tpu.memory_space<vmem>>, vector<16xf32>,
        tpu.vector_store %arg8[%swap3A_137, %swap3A_138], %get3A_136 {strides = array<i32>} : memref<80x300xf32, #tpu.memory_space<vmem>>, vector<16xf32>,
        %iota3A = tpu.iota {dimensions = array<i32: 0>} : vector<16xi32>
        %broadcast_in_dim3A = vector.broadcast %scan3A_129 : i32 to vector<16xi32>
        %add3A_140 = arith.constant 288 : i32
        %add3A_141 = vector.broadcast %add3A_140 : i32 to vector<16xi32>
        %add3A_142 = arith.addi %add3A_141, %iota3A : vector<16xi32>
        %get3A_143 = arith.index_cast %scan3A_129 : i32 to index
        %get3A_144 = arith.constant 32 : index
        %get3A_145 = tpu.vector_load %arg10[%get3A_143, %get3A_144] {strides = array<i32>} : memref<80x128xf32, #tpu.memory_space<vmem>>, vector<16xf32>,
        %lt3A_146 = arith.constant 12 : i32
        %lt3A_147 = vector.broadcast %lt3A_146 : i32 to vector<16xi32>
        %lt3A_148 = arith.cmpi slt, %iota3A, %lt3A_147 : vector<16xi32>
        tpu.vector_store_idx %arg8[%broadcast_in_dim3A, %add3A_142], %get3A_145 masked %lt3A_148 : memref<80x300xf32, #tpu.memory_space<vmem>>[vector<16xi32>, vector<16xi32>], vector<16xf32>, vector<16xi1>
        %scan3A_149 = arith.constant 1 : i32
        %scan3A_150 = arith.addi %scan3A_129, %scan3A_149 : i32
        %get3A_151 = arith.index_cast %scan3A_150 : i32 to index
        %get3A_152 = arith.constant 0 : index
        %get3A_153 = tpu.vector_load %arg10[%get3A_151, %get3A_152] {strides = array<i32>} : memref<80x128xf32, #tpu.memory_space<vmem>>, vector<16xf32>,
        %swap3A_154 = arith.index_cast %scan3A_150 : i32 to index
        %swap3A_155 = arith.constant 256 : index
        %swap3A_156 = tpu.vector_load %arg8[%swap3A_154, %swap3A_155] {strides = array<i32>} : memref<80x300xf32, #tpu.memory_space<vmem>>, vector<16xf32>,
        tpu.vector_store %arg8[%swap3A_154, %swap3A_155], %get3A_153 {strides = array<i32>} : memref<80x300xf32, #tpu.memory_space<vmem>>, vector<16xf32>,
        %get3A_157 = arith.index_cast %scan3A_150 : i32 to index
        %get3A_158 = arith.constant 16 : index
        %get3A_159 = tpu.vector_load %arg10[%get3A_157, %get3A_158] {strides = array<i32>} : memref<80x128xf32, #tpu.memory_space<vmem>>, vector<16xf32>,
        %swap3A_160 = arith.index_cast %scan3A_150 : i32 to index
        %swap3A_161 = arith.constant 272 : index
        %swap3A_162 = tpu.vector_load %arg8[%swap3A_160, %swap3A_161] {strides = array<i32>} : memref<80x300xf32, #tpu.memory_space<vmem>>, vector<16xf32>,
        tpu.vector_store %arg8[%swap3A_160, %swap3A_161], %get3A_159 {strides = array<i32>} : memref<80x300xf32, #tpu.memory_space<vmem>>, vector<16xf32>,
        %iota3A_163 = tpu.iota {dimensions = array<i32: 0>} : vector<16xi32>
        %broadcast_in_dim3A_164 = vector.broadcast %scan3A_150 : i32 to vector<16xi32>
        %add3A_165 = arith.constant 288 : i32
        %add3A_166 = vector.broadcast %add3A_165 : i32 to vector<16xi32>
        %add3A_167 = arith.addi %add3A_166, %iota3A_163 : vector<16xi32>
        %get3A_168 = arith.index_cast %scan3A_150 : i32 to index
        %get3A_169 = arith.constant 32 : index
        %get3A_170 = tpu.vector_load %arg10[%get3A_168, %get3A_169] {strides = array<i32>} : memref<80x128xf32, #tpu.memory_space<vmem>>, vector<16xf32>,
        %lt3A_171 = arith.constant 12 : i32
        %lt3A_172 = vector.broadcast %lt3A_171 : i32 to vector<16xi32>
        %lt3A_173 = arith.cmpi slt, %iota3A_163, %lt3A_172 : vector<16xi32>
        tpu.vector_store_idx %arg8[%broadcast_in_dim3A_164, %add3A_167], %get3A_170 masked %lt3A_173 : memref<80x300xf32, #tpu.memory_space<vmem>>[vector<16xi32>, vector<16xi32>], vector<16xf32>, vector<16xi1>
      }
      %scan3A_121 = arith.constant 80 : i32
      %mul3A_122 = arith.constant 80 : i32
      %mul3A_123 = arith.muli %add3A_79, %mul3A_122 : i32
      %add3A_124 = arith.addi %mul3A_2, %mul3A_123 : i32
      %dma_start3A_125 = arith.constant 0 : i32
      %dma_start3A_126 = tpu.memref_slice %arg5[%add3A_124, %dma_start3A_125] : memref<819200x300xf32, #tpu.memory_space<hbm>> -> memref<80x300xf32, #tpu.memory_space<hbm>>
      %dma_start3A_127 = arith.constant 0 : i32
      %dma_start3A_128 = tpu.memref_slice %arg5[%add3A_124, %dma_start3A_127] : memref<819200x300xf32, #tpu.memory_space<hbm>> -> memref<80x300xf32, #tpu.memory_space<hbm>>
      tpu.enqueue_dma source(%arg8 : memref<80x300xf32, #tpu.memory_space<vmem>>) target(%dma_start3A_128 : memref<80x300xf32, #tpu.memory_space<hbm>>) target_semaphore(%arg16 : memref<!tpu.dma_semaphore, #tpu.memory_space<semaphore_mem>>)
    }
    %scan3A_22 = arith.constant 160 : i32
    %dma_wait3A = arith.constant 0 : i32
    %dma_wait3A_23 = tpu.memref_slice %arg5[%mul3A_2, %dma_wait3A] : memref<819200x300xf32, #tpu.memory_space<hbm>> -> memref<80x300xf32, #tpu.memory_space<hbm>>
    %dma_wait3A_24 = arith.constant 0 : i32
    %dma_wait3A_25 = tpu.memref_slice %arg5[%mul3A_2, %dma_wait3A_24] : memref<819200x300xf32, #tpu.memory_space<hbm>> -> memref<80x300xf32, #tpu.memory_space<hbm>>
    tpu.wait_dma2 semaphore(%arg16 : memref<!tpu.dma_semaphore, #tpu.memory_space<semaphore_mem>>) src(%arg8 : memref<80x300xf32, #tpu.memory_space<vmem>>) dst(%dma_wait3A_25 : memref<80x300xf32, #tpu.memory_space<hbm>>)
    return
  }
}

</mosaic_0001>

<sc_bundles>
// kernel: _gather.3.cloned.1.call-start
scs
__scs_entry_jumppad:
0x0: {  	(pc) =	sbr.rel $0x88, $3  }
0x1: {  	(tag) =	ssettag $0x0;
	lr =	simm.s32 $0x1  }
0x2: {  	[smem:$0x3F9E] =	sst lr;
	_ =	strace $0xD0000000  }
0x3: {  	_ = 	snop  }
0x4: {  	_ = 	snop  }
0x5: {  	_ = 	snop  }
0x6: {  	_ = 	snop  }
0x7: {  	_ = 	snop  }
__scs_overlays_trampoline_lowered:
0x8: {  	[smem:$0x3FAD] =	sst s0  }
0x9: {  	[smem:$0x3FAE] =	sst s1  }
0xa: {  	[smem:$0x3FAF] =	sst s2  }
0xb: {  	[smem:$0x3FB0] =	sst s3  }
0xc: {  	[smem:$0x3FB1] =	sst s4  }
0xd: {  	[smem:$0x3FB2] =	sst s5  }
0xe: {  	[smem:$0x3FB3] =	sst s6  }
0xf: {  	[smem:$0x3FB4] =	sst s7  }
0x10: {  	[smem:$0x3FB5] =	sst s8  }
0x11: {  	[smem:$0x3FB6] =	sst s9;
	s0 =	simm.s32 @!p0 $0x0  }
0x12: {  	s1 =	sld [smem:$0x3F9C];
	s0 =	simm.s32 @p0 $0x1  }
0x13: {  	[smem:$0x3FB7] =	sst s0;
	s0 =	simm.s32 @!p1 $0x0  }
0x14: {  	s2 =	sld [smem:$0x3F9B];
	s0 =	simm.s32 @p1 $0x1  }
0x15: {  	[smem:$0x3FB8] =	sst s0;
	s0 =	simm.s32 @!p2 $0x0  }
0x16: {  	s3 =	sld [smem:$0x3FDB];
	s0 =	simm.s32 @p2 $0x1  }
0x17: {  	s4 =	simm.s32 $0x1BF5;
	[smem:$0x3FBA] =	sst s0  }
0x18: {  	s0 =	sld [smem:$0x3F9D];
	_ =	swait.ge [sflag:s4], $0x0  }
0x19: {  	s7 =	sld [smem:$0x3F9E]  }
0x1a: {  	s8 =	sadd.s32 $0xFFFFE003, lr  }
0x1b: {  	s9 =	sadd.s32 $0xFFFFFEF7, lr;
	s5 =	simm.s32 $0xFFFFFFFF;
	p2 =	slt.u32 s8, $0xFFFFF086  }
0x1c: {  	p1 =	slt.u32 s9, $0xF7A;
	s5 =	simm.s32 @!p2 $0x0  }
0x1d: {  	s5 =	simm.s32 @p1 $0x1;
	p0 =	seq.s32 s7, s2  }
0x1e: {  	s7 =	smul.u32 @!p0 $0xF7A, s2;
	p2 =	seq.s32 @!p0 s5, $0x0  }
0x1f: {  	s9 =	smul.u32 $0xF7A, s1;
	s8 =	simm.s32 @!p0 $0x1BF5;
	p2 =	por !p2, p0  }
0x20: {  	[sflag:s8] =	ssyncset.s32 @!p0 $0xFFFFF086;
	s6 =	sadd.s32 @!p0 s3, s7;
	s7 =	simm.s32 @!p0 $0x108  }
0x21: {  	s3 =	sadd.s32 s3, s9;
	s6 =	sadd.s32 @!p0 $0x88, s6;
	s7 =	simm.s32 @p2 $0x1082  }
0x22: {  	[simem:s7], [sflag:s8] =	dma.local @!p0 [hbm:s6], $0xF7A  }
0x23: {  	s9 =	sor.u32 $0xD0000000, s2;
	s6 =	simm.s32 $0x108;
	_ =	swait.ge @!p0 [sflag:s8], $0x0  }
0x24: {  	s3 =	sadd.s32 $0x88, s3;
	s6 =	simm.s32 @!p1 $0x1082;
	[sflag:s4] =	ssyncset.s32 $0xFFFFF086  }
0x25: {  	[simem:s6], [sflag:s4] =	dma.local [hbm:s3], $0xF7A  }
0x26: {  	[smem:$0x3F9E] =	sst s1;
	(tag) =	ssettag s2;
	_ =	strace s9  }
0x27: {  	s1 =	sld [smem:$0x3FAE]  }
0x28: {  	s2 =	sld [smem:$0x3FAF]  }
0x29: {  	s4 =	sld [smem:$0x3FB1]  }
0x2a: {  	p0 =	seq.s32 s5, $0x0;
	s5 =	sld [smem:$0x3FB2]  }
0x2b: {  	s6 =	sld [smem:$0x3FB3]  }
0x2c: {  	s7 =	sld [smem:$0x3FB4]  }
0x2d: {  	s3 =	simm.s32 $0x108;
	s8 =	sld [smem:$0x3FB5]  }
0x2e: {  	s3 =	simm.s32 @!p0 $0x1082;
	s9 =	sld [smem:$0x3FB6]  }
0x2f: {  	lr =	sadd.s32 s0, s3;
	s0 =	sld [smem:$0x3FAD]  }
0x30: {  	s3 =	sld [smem:$0x3FB0]  }
0x31: {  	[smem:$0x3FB9] =	sst s10  }
0x32: {  	s10 =	sld [smem:$0x3FB7];
	_ =	sdelay $0x3  }
0x33: {  	p0 =	seq.s32 s10, $0x1;
	s10 =	sld [smem:$0x3FB9];
	_ =	sdelay $0x3  }
0x34: {  	[smem:$0x3FB9] =	sst s10  }
0x35: {  	s10 =	sld [smem:$0x3FB8];
	_ =	sdelay $0x3  }
0x36: {  	p1 =	seq.s32 s10, $0x1;
	s10 =	sld [smem:$0x3FB9];
	_ =	sdelay $0x3  }
0x37: {  	[smem:$0x3FB9] =	sst s10  }
0x38: {  	s10 =	sld [smem:$0x3FBA]  }
0x39: {  	_ = 	snop;
	(pc) =	sbr.ind lr, $3  }
0x3a: {  	_ = 	snop  }
0x3b: {  	_ = 	snop  }
0x3c: {  	p2 =	seq.s32 s10, $0x1;
	s10 =	sld [smem:$0x3FB9]  }
0x3d: {  	_ =	shalt  }
0x3e: {  	_ =	shalt  }
0x3f: {  	_ =	shalt  }
0x40: {  	_ =	shalt  }
0x41: {  	_ =	shalt  }
0x42: {  	_ =	shalt  }
0x43: {  	_ =	shalt  }
0x44: {  	_ =	shalt  }
0x45: {  	_ =	shalt  }
0x46: {  	_ =	shalt  }
0x47: {  	_ =	shalt  }
0x48: {  	_ =	shalt  }
0x49: {  	_ =	shalt  }
0x4a: {  	_ =	shalt  }
0x4b: {  	_ =	shalt  }
0x4c: {  	_ =	shalt  }
0x4d: {  	_ =	shalt  }
0x4e: {  	_ =	shalt  }
0x4f: {  	_ =	shalt  }
0x50: {  	_ =	shalt  }
0x51: {  	_ =	shalt  }
0x52: {  	_ =	shalt  }
0x53: {  	_ =	shalt  }
0x54: {  	_ =	shalt  }
0x55: {  	_ =	shalt  }
0x56: {  	_ =	shalt  }
0x57: {  	_ =	shalt  }
0x58: {  	_ =	shalt  }
0x59: {  	_ =	shalt  }
0x5a: {  	_ =	shalt  }
0x5b: {  	_ =	shalt  }
0x5c: {  	_ =	shalt  }
0x5d: {  	_ =	shalt  }
0x5e: {  	_ =	shalt  }
0x5f: {  	_ =	shalt  }
0x60: {  	_ =	shalt  }
0x61: {  	_ =	shalt  }
0x62: {  	_ =	shalt  }
0x63: {  	_ =	shalt  }
0x64: {  	_ =	shalt  }
0x65: {  	_ =	shalt  }
0x66: {  	_ =	shalt  }
0x67: {  	_ =	shalt  }
0x68: {  	_ =	shalt  }
0x69: {  	_ =	shalt  }
0x6a: {  	_ =	shalt  }
0x6b: {  	_ =	shalt  }
0x6c: {  	_ =	shalt  }
0x6d: {  	_ =	shalt  }
0x6e: {  	_ =	shalt  }
0x6f: {  	_ =	shalt  }
0x70: {  	_ =	shalt  }
0x71: {  	_ =	shalt  }
0x72: {  	_ =	shalt  }
0x73: {  	_ =	shalt  }
0x74: {  	_ =	shalt  }
0x75: {  	_ =	shalt  }
0x76: {  	_ =	shalt  }
0x77: {  	_ =	shalt  }
0x78: {  	_ =	shalt  }
0x79: {  	_ =	shalt  }
0x7a: {  	_ =	shalt  }
0x7b: {  	_ =	shalt  }
0x7c: {  	_ =	shalt  }
0x7d: {  	_ =	shalt  }
0x7e: {  	_ =	shalt  }
0x7f: {  	_ =	shalt  }
0x80: {  	_ =	shalt  }
0x81: {  	_ =	shalt  }
0x82: {  	_ =	shalt  }
0x83: {  	_ =	shalt  }
0x84: {  	_ =	shalt  }
0x85: {  	_ =	shalt  }
0x86: {  	_ =	shalt  }
0x87: {  	_ =	shalt  }
.Lfunc_end0:
.L_simem_size_0:
called_computation_lowered:
.L_overlay_start_0:
0x88: {  	s2 =	sld [smem:$0x3FD9]  }
0x89: {  	s3 =	sld [smem:$0x3FFE];
	_ =	sdelay $0x1  }
0x8a: {  	s1 =	srdreg.scid  }
0x8b: {  	s0 =	sand.u32 $0x1, s1  }
0x8c: {  	s17 =	sshll.u32 s0, $0xA;
	s2 =	sadd.s32 s3, s2  }
0x8d: {  	s2 =	sadd.s32 s2, s17  }
0x8e: {  	[smem:$0x3FC5] =	sst s2  }
0x8f: {  	_ = 	snop  }
0x90: {  	s2 =	sld [smem:$0x3FC8]  }
0x91: {  	s18 =	sld [smem:$0x3FC7]  }
0x92: {  	s4 =	sld [smem:$0x3FD0];
	(tm) =	ssettm $0x1  }
0x93: {  	s5 =	sld [smem:$0x3FFB];
	_ =	sdelay $0x3  }
0x94: {  	_ =	strace s5  }
0x95: {  	s5 =	sld [smem:$0x3FFC];
	_ =	sdelay $0x3  }
0x96: {  	_ =	strace s5  }
0x97: {  	s5 =	sld [smem:$0x3FFD];
	_ =	sdelay $0x3  }
0x98: {  	_ =	strace s5  }
0x99: {  	_ =	strace $0x8FFFFFFF  }
0x9a: {  	s19 =	sld [smem:$0x3FDB];
	_ =	sdelay $0x1  }
0x9b: {  	s6 =	simm.s32 $_scs_section_size  }
0x9c: {  	s7 =	simm.s32 $_size__tile_overlayer_lowered;
	s8 =	simm.s32 $_tile_overlayer_lowered  }
0x9d: {  	s22 =	simm.s32 $0x1BFF;
	s21 =	sshll.u32 s8, $0x1;
	s5 =	sadd.s32 s6, s19  }
0x9e: {  	s9 =	simm.s32 $0x0;
	s20 =	sshll.u32 s7, $0x1;
	s7 =	sadd.s32 s21, s5  }
0x9f: {  	[timem:s9], [sflag:s22] =	dma.local [hbm:s7], s20  }
0xa0: {  	_ =	swait.ge [sflag:s22], s20  }
0xa1: {  	s6 =	ssub.s32 $0x0, s20;
	[sflag:s22] =	ssyncset.done $0x0  }
0xa2: {  	[sflag:s22] =	ssyncadd.s32 s6;
	_ =	sdelay $0x1  }
0xa3: {  	s23 =	simm.s32 $0x1B8B  }
0xa4: {  	_ =	swait.ge [sflag:s23], $0x1  }
0xa5: {  	[sflag:s23] =	ssyncset.done $0x0  }
0xa6: {  	s25 =	simm.s32 $0x1B8E;
	s24 =	sld [smem:$0x3FFE];
	[sflag:s23] =	ssyncadd.s32 $0xFFFFFFFF  }
0xa7: {  	s26 =	simm.s32 $execute0_lowered;
	[smem:$0x3FD2] =	sst s25  }
0xa8: {  	s7 =	sshll.u32 s26, $0x1;
	_ =	strace $0x80000046;
	[dreg:$0x1] =	wrdreg $0xFFFFFFFF  }
0xa9: {  	s28 =	simm.s32 $_size_execute0_lowered;
	s5 =	sadd.s32 s5, s7;
	[dreg:$0x0] =	wrdreg $0x0  }
0xaa: {  	s7 =	sshll.u32 s28, $0x1;
	[dreg:$0x2] =	wrdreg s5  }
0xab: {  	[dreg:$0x3] =	wrdreg s7  }
0xac: {  	[dreg:$0x4] =	wrdreg $0xC0  }
0xad: {  	_ =	task [dreg:s9], $0x5FFFF  }
0xae: {  	[dreg:$0x1] =	wrdreg $0xFFFFFFFF  }
0xaf: {  	[dreg:$0x0] =	wrdreg $0x60  }
0xb0: {  	[dreg:$0x2] =	wrdreg s4  }
0xb1: {  	[dreg:$0x3] =	wrdreg s2  }
0xb2: {  	[dreg:$0x4] =	wrdreg s18  }
0xb3: {  	[dreg:$0x5] =	wrdreg s24  }
0xb4: {  	[dreg:$0x6] =	wrdreg $0x9  }
0xb5: {  	_ =	task.clear_ibuf [dreg:s9], $0x7FFFF;
	_ =	strace $0x90000046  }
0xb6: {  	s29 =	simm.s32 $0x9;
	_ =	strace $0x80000048  }
0xb7: {  	_ =	swait.ge [sflag:s29], $0x1  }
0xb8: {  	[sflag:s29] =	ssyncadd.s32 $0xFFFFFFFF  }
0xb9: {  	_ =	strace $0x90000048  }
0xba: {  	_ =	sfence  }
0xbb: {  	s30 =	sld [smem:$0x0];
	_ =	sdelay $0x2  }
0xbc: {  	s31 =	sshll.u32 s1, $0xD;
	s1 =	sshrl.u32 s1, $0x2  }
0xbd: {  	s3 =	sand.u32 $0x4000, s31;
	s1 =	sadd.s32 s1, s30  }
0xbe: {  	s0 =	sor.u32 s3, s0;
	s1 =	sshll.u32 s1, $0x11  }
0xbf: {  	s0 =	sor.u32 s1, s0  }
0xc0: {  	s0 =	sadd.s32 $0x8F2B, s0  }
0xc1: {  	[sflag:s0] =	ssyncadd.remote.s32 $0x1  }
0xc2: {  	_ =	sfence.sel $0xFFFF  }
0xc3: {  	[dreg:$0x0] =	wrdreg $0xFFFFFFFF;
	(pc) =	sbr.abs _section_cstart, $3  }
0xc4: {  	[dreg:$0x1] =	wrdreg $0xFFFFFFFF  }
0xc5: {  	_ =	task.clear_ibuf [dreg:s9], $0x2FFFF;
	_ =	strace $0x9FFFFFFF  }
0xc6: {  	(tm) =	ssettm $0x7FFFFFFF  }
0xc7: {  	_ =	shalt  }
tec
execute0_lowered:
.L_overlay_start_1:
0x0: {  	(tag) =	ssettag $0x1  }
0x1: {  	s1 =	rddreg [dreg:$0x0]  }
0x2: {  	s2 =	rddreg [dreg:$0x1]  }
0x3: {  	s0 =	rddreg [dreg:$0x2];
	s3 =	srdreg.scid  }
0x4: {  	s4 =	stileid.u32;
	s6 =	rddreg [dreg:$0x3];
	s10 =	simm.s32 $0x6400  }
0x5: {  	s20 =	simm.s32 $0x50;
	s22 =	simm.s32 $0x1;
	s23 =	simm.s32 $0x3  }
0x6: {  	s24 =	simm.s32 $0xDC00;
	s28 =	simm.s32 $0x10000;
	s29 =	simm.s32 $0x10C00  }
0x7: {  	s30 =	simm.s32 $0x11800;
	s31 =	simm.s32 $0x12400;
	s8 =	simm.s32 $0x17C00  }
0x8: {  	s9 =	simm.s32 $0x2;
	s11 =	simm.s32 $0x4;
	s12 =	simm.s32 $0x5  }
0x9: {  	s15 =	simm.s32 $0x0;
	s3 =	sand.u32 $0x1, s3;
	s5 =	sshll.u32 s4, $0x1  }
0xa: {  	s4 =	simm.s32 $0x0;
	s5 =	sor.u32 s3, s5;
	s3 =	ssub.s32 $0x2, s3  }
0xb: {  	[smem:$0x7FF] =	sst s4;
	s5 =	smul.u32 $0x6400, s5;
	s7 =	sshrl.u32 s3, $0x1  }
0xc: {  	s6 =	sadd.s32 $0x400, s6;
	_ =	strace $0x80000047;
	s3 =	ssub.s32 s3, s7  }
0xd: {  	v4 =	vlaneseq.u32;
	vm0 =	vmmov $0xffff;
	s7 =	simm.s32 $0x14800;
	s25 =	sshrl.u32 s5, $0x3;
	s26 =	smax.u32 s3, $0x1  }
0xe: {  	v1 =	vshrl.u32 v4, $0x3;
	v0 =	vand.u32 $0x7, v4;
	v2 =	vor.u32 $0x8, v4;
	s3 =	simm.s32 $0x13000;
	s0 =	sadd.s32 s0, s25;
	[dreg:$0x6] =	wrdreg s26  }
0xf: {  	v3 =	vor.u32 $0x20, v4;
	v4 =	vor.u32 $0x820, v4;
	v1 =	vmul.u32 $0x8, v1;
	s26 =	simm.s32 $0xF400;
	[dreg:$0x5] =	wrdreg s0;
	s0 =	simm.s32 $0x13C00  }
.LBB2_1:
0x10: {  	[dreg:$0x7] =	wrdreg s15  }
0x11: {  	s13 =	rddreg [dreg:$0x5];
	s19 =	simm.s32 $0x7  }
0x12: {  	[tilespmem:s4], [sflag:$0x7] =	stream.linear.gather [hbm4b:s13+s4], $0x6400, $0x38;
	[tilespmem:$0x1A400] =	vst v63  }
0x13: {  	_ =	swait.ge [sflag:s19], $0x6400  }
0x14: {  	[sflag:s19] =	ssyncset.done $0x0  }
0x15: {  	[sflag:s19] =	ssyncadd.s32 $0xFFFF9C00  }
0x16: {  	v5 =	vld [tilespmem:$0x0];
	_ =	sdelay $0x4  }
0x17: {  	v6 =	vshrl.u32 v5, $0x3  }
0x18: {  	v6 =	vmul.u32 $0x18, v6  }
0x19: {  	v5 =	vand.u32 $0x7, v5  }
0x1a: {  	v5 =	vor.u32 v5, v6  }
0x1b: {  	v6 =	vperm.xlane v5, v0;
	_ =	sdelay $0x1  }
0x1c: {  	v5 =	vperm.xlane v5, v2;
	v6 =	vadd.s32 v1, v6;
	_ =	sdelay $0x1  }
0x1d: {  	v5 =	vadd.s32 v1, v5;
	_ =	sdelay $0x2  }
0x1e: {  	[tilespmem:s10], [sflag:$0x1] =	stream.indirect_vreg.gather [hbm4b:s1+s4], $0x80, v6, vm0, $0xb8;
	[tilespmem:$0x1A400] =	vst v63  }
0x1f: {  	s21 =	simm.s32 $0x7000  }
0x20: {  	[tilespmem:s21], [sflag:$0x1] =	stream.indirect_vreg.gather [hbm4b:s1+s4], $0x80, v5, vm0, $0xb8;
	[tilespmem:$0x1A400] =	vst v63  }
0x21: {  	v5 =	vld [tilespmem:$0x10];
	_ =	sdelay $0x4  }
0x22: {  	v6 =	vshrl.u32 v5, $0x3  }
0x23: {  	v6 =	vmul.u32 $0x18, v6  }
0x24: {  	v5 =	vand.u32 $0x7, v5  }
0x25: {  	v5 =	vor.u32 v5, v6  }
0x26: {  	v6 =	vperm.xlane v5, v0;
	_ =	sdelay $0x1  }
0x27: {  	v5 =	vperm.xlane v5, v2;
	v6 =	vadd.s32 v1, v6;
	_ =	sdelay $0x1  }
0x28: {  	v5 =	vadd.s32 v1, v5;
	_ =	sdelay $0x1  }
0x29: {  	s25 =	simm.s32 $0x7C00  }
0x2a: {  	[tilespmem:s25], [sflag:$0x1] =	stream.indirect_vreg.gather [hbm4b:s1+s4], $0x80, v6, vm0, $0xb8;
	[tilespmem:$0x1A400] =	vst v63  }
0x2b: {  	s14 =	simm.s32 $0x8800  }
0x2c: {  	[tilespmem:s14], [sflag:$0x1] =	stream.indirect_vreg.gather [hbm4b:s1+s4], $0x80, v5, vm0, $0xb8;
	[tilespmem:$0x1A400] =	vst v63  }
0x2d: {  	v5 =	vld [tilespmem:$0x20];
	_ =	sdelay $0x4  }
0x2e: {  	v6 =	vshrl.u32 v5, $0x3  }
0x2f: {  	v6 =	vmul.u32 $0x18, v6  }
0x30: {  	v5 =	vand.u32 $0x7, v5  }
0x31: {  	v5 =	vor.u32 v5, v6  }
0x32: {  	v6 =	vperm.xlane v5, v0;
	_ =	sdelay $0x1  }
0x33: {  	v5 =	vperm.xlane v5, v2;
	v6 =	vadd.s32 v1, v6;
	_ =	sdelay $0x1  }
0x34: {  	v5 =	vadd.s32 v1, v5;
	_ =	sdelay $0x1  }
0x35: {  	s15 =	simm.s32 $0x9400  }
0x36: {  	[tilespmem:s15], [sflag:$0x1] =	stream.indirect_vreg.gather [hbm4b:s1+s4], $0x80, v6, vm0, $0xb8;
	[tilespmem:$0x1A400] =	vst v63  }
0x37: {  	s16 =	simm.s32 $0xA000  }
0x38: {  	[tilespmem:s16], [sflag:$0x1] =	stream.indirect_vreg.gather [hbm4b:s1+s4], $0x80, v5, vm0, $0xb8;
	[tilespmem:$0x1A400] =	vst v63  }
0x39: {  	v5 =	vld [tilespmem:$0x30];
	_ =	sdelay $0x4  }
0x3a: {  	v6 =	vshrl.u32 v5, $0x3  }
0x3b: {  	v6 =	vmul.u32 $0x18, v6  }
0x3c: {  	v5 =	vand.u32 $0x7, v5  }
0x3d: {  	v5 =	vor.u32 v5, v6  }
0x3e: {  	v6 =	vperm.xlane v5, v0;
	_ =	sdelay $0x1  }
0x3f: {  	v5 =	vperm.xlane v5, v2;
	v6 =	vadd.s32 v1, v6;
	_ =	sdelay $0x1  }
0x40: {  	v5 =	vadd.s32 v1, v5;
	_ =	sdelay $0x1  }
0x41: {  	s17 =	simm.s32 $0xAC00  }
0x42: {  	[tilespmem:s17], [sflag:$0x1] =	stream.indirect_vreg.gather [hbm4b:s1+s4], $0x80, v6, vm0, $0xb8;
	[tilespmem:$0x1A400] =	vst v63  }
0x43: {  	s18 =	simm.s32 $0xB800  }
0x44: {  	[tilespmem:s18], [sflag:$0x1] =	stream.indirect_vreg.gather [hbm4b:s1+s4], $0x80, v5, vm0, $0xb8;
	[tilespmem:$0x1A400] =	vst v63  }
0x45: {  	v5 =	vld [tilespmem:$0x40];
	_ =	sdelay $0x4  }
0x46: {  	v6 =	vshrl.u32 v5, $0x3  }
0x47: {  	v6 =	vmul.u32 $0x18, v6  }
0x48: {  	v5 =	vand.u32 $0x7, v5  }
0x49: {  	v5 =	vor.u32 v5, v6  }
0x4a: {  	v6 =	vperm.xlane v5, v0;
	_ =	sdelay $0x1  }
0x4b: {  	v5 =	vperm.xlane v5, v2;
	v6 =	vadd.s32 v1, v6;
	_ =	sdelay $0x1  }
0x4c: {  	v5 =	vadd.s32 v1, v5;
	_ =	sdelay $0x1  }
0x4d: {  	s19 =	simm.s32 $0xC400  }
0x4e: {  	[tilespmem:s19], [sflag:$0x1] =	stream.indirect_vreg.gather [hbm4b:s1+s4], $0x80, v6, vm0, $0xb8;
	[tilespmem:$0x1A400] =	vst v63  }
0x4f: {  	s21 =	simm.s32 $0xD000  }
0x50: {  	[tilespmem:s21], [sflag:$0x1] =	stream.indirect_vreg.gather [hbm4b:s1+s4], $0x80, v5, vm0, $0xb8;
	[tilespmem:$0x1A400] =	vst v63  }
0x51: {  	s13 =	simm.s32 $0x0;
	s25 =	simm.s32 $0x15400  }
0x52: {  	[tilespmem:s25], [sflag:$0x3] =	stream.indirect.gather [hbm4b:s2+s20], $0x80, s4, s20, $0xb8;
	[tilespmem:$0x1A400] =	vst v63  }
.LBB2_2:
0x53: {  	_ =	swait.ge [sflag:s22], $0x5000  }
0x54: {  	[sflag:s22] =	ssyncset.done $0x0  }
0x55: {  	[sflag:s22] =	ssyncadd.s32 $0xFFFFB000  }
0x56: {  	_ =	swait.ge [sflag:s23], $0x2800  }
0x57: {  	s14 =	sshll.u32 s13, $0x1;
	p0 =	seq.s32 s13, $0x0;
	[sflag:s23] =	ssyncset.done $0x0  }
0x58: {  	s15 =	simm.s32 @!p0 $0x6;
	s14 =	sor.u32 $0x1, s14;
	[sflag:s23] =	ssyncadd.s32 $0xFFFFD800  }
0x59: {  	s16 =	smul.u32 $0x140, s14;
	_ =	swait.ge @!p0 [sflag:s15], $0x7800  }
0x5a: {  	[sflag:s15] =	ssyncset.done @!p0 $0x0  }
0x5b: {  	s21 =	sshra.s32 s16, $0x2;
	[sflag:s15] =	ssyncadd.s32 @!p0 $0xFFFF8800  }
0x5c: {  	v5 =	vld [tilespmem:s21+$0x0];
	_ =	sdelay $0x4  }
0x5d: {  	v6 =	vshrl.u32 v5, $0x3  }
0x5e: {  	v6 =	vmul.u32 $0x18, v6  }
0x5f: {  	v5 =	vand.u32 $0x7, v5  }
0x60: {  	v5 =	vor.u32 v5, v6  }
0x61: {  	v6 =	vperm.xlane v5, v0;
	_ =	sdelay $0x1  }
0x62: {  	v5 =	vperm.xlane v5, v2;
	v6 =	vadd.s32 v1, v6;
	_ =	sdelay $0x1  }
0x63: {  	v5 =	vadd.s32 v1, v5;
	_ =	sdelay $0x1  }
0x64: {  	s25 =	simm.s32 $0x0  }
0x65: {  	[tilespmem:s24], [sflag:$0x2] =	stream.indirect_vreg.gather [hbm4b:s1+s25], $0x80, v6, vm0, $0xb8;
	[tilespmem:$0x1A400] =	vst v63  }
0x66: {  	s17 =	simm.s32 $0xE800  }
0x67: {  	[tilespmem:s17], [sflag:$0x2] =	stream.indirect_vreg.gather [hbm4b:s1+s25], $0x80, v5, vm0, $0xb8;
	[tilespmem:$0x1A400] =	vst v63  }
0x68: {  	v5 =	vld [tilespmem:s21+$0x10];
	_ =	sdelay $0x4  }
0x69: {  	v6 =	vshrl.u32 v5, $0x3  }
0x6a: {  	v6 =	vmul.u32 $0x18, v6  }
0x6b: {  	v5 =	vand.u32 $0x7, v5  }
0x6c: {  	v5 =	vor.u32 v5, v6  }
0x6d: {  	v6 =	vperm.xlane v5, v0;
	_ =	sdelay $0x1  }
0x6e: {  	v5 =	vperm.xlane v5, v2;
	v6 =	vadd.s32 v1, v6;
	_ =	sdelay $0x1  }
0x6f: {  	v5 =	vadd.s32 v1, v5;
	_ =	sdelay $0x2  }
0x70: {  	[tilespmem:s26], [sflag:$0x2] =	stream.indirect_vreg.gather [hbm4b:s1+s25], $0x80, v6, vm0, $0xb8;
	[tilespmem:$0x1A400] =	vst v63  }
0x71: {  	_ = 	snop  }
0x72: {  	[tilespmem:s28], [sflag:$0x2] =	stream.indirect_vreg.gather [hbm4b:s1+s25], $0x80, v5, vm0, $0xb8;
	[tilespmem:$0x1A400] =	vst v63  }
0x73: {  	v5 =	vld [tilespmem:s21+$0x20];
	_ =	sdelay $0x4  }
0x74: {  	v6 =	vshrl.u32 v5, $0x3  }
0x75: {  	v6 =	vmul.u32 $0x18, v6  }
0x76: {  	v5 =	vand.u32 $0x7, v5  }
0x77: {  	v5 =	vor.u32 v5, v6  }
0x78: {  	v6 =	vperm.xlane v5, v0;
	_ =	sdelay $0x1  }
0x79: {  	v5 =	vperm.xlane v5, v2;
	v6 =	vadd.s32 v1, v6;
	_ =	sdelay $0x1  }
0x7a: {  	v5 =	vadd.s32 v1, v5;
	_ =	sdelay $0x2  }
0x7b: {  	[tilespmem:s29], [sflag:$0x2] =	stream.indirect_vreg.gather [hbm4b:s1+s25], $0x80, v6, vm0, $0xb8;
	[tilespmem:$0x1A400] =	vst v63  }
0x7c: {  	_ = 	snop  }
0x7d: {  	[tilespmem:s30], [sflag:$0x2] =	stream.indirect_vreg.gather [hbm4b:s1+s25], $0x80, v5, vm0, $0xb8;
	[tilespmem:$0x1A400] =	vst v63  }
0x7e: {  	v5 =	vld [tilespmem:s21+$0x30];
	_ =	sdelay $0x4  }
0x7f: {  	v6 =	vshrl.u32 v5, $0x3  }
0x80: {  	v6 =	vmul.u32 $0x18, v6  }
0x81: {  	v5 =	vand.u32 $0x7, v5  }
0x82: {  	v5 =	vor.u32 v5, v6  }
0x83: {  	v6 =	vperm.xlane v5, v0;
	_ =	sdelay $0x1  }
0x84: {  	v5 =	vperm.xlane v5, v2;
	v6 =	vadd.s32 v1, v6;
	_ =	sdelay $0x1  }
0x85: {  	v5 =	vadd.s32 v1, v5;
	_ =	sdelay $0x2  }
0x86: {  	[tilespmem:s31], [sflag:$0x2] =	stream.indirect_vreg.gather [hbm4b:s1+s25], $0x80, v6, vm0, $0xb8;
	[tilespmem:$0x1A400] =	vst v63  }
0x87: {  	_ = 	snop  }
0x88: {  	[tilespmem:s3], [sflag:$0x2] =	stream.indirect_vreg.gather [hbm4b:s1+s25], $0x80, v5, vm0, $0xb8;
	[tilespmem:$0x1A400] =	vst v63  }
0x89: {  	v5 =	vld [tilespmem:s21+$0x40];
	_ =	sdelay $0x4  }
0x8a: {  	v6 =	vshrl.u32 v5, $0x3  }
0x8b: {  	v6 =	vmul.u32 $0x18, v6  }
0x8c: {  	v5 =	vand.u32 $0x7, v5  }
0x8d: {  	v5 =	vor.u32 v5, v6  }
0x8e: {  	v6 =	vperm.xlane v5, v0;
	_ =	sdelay $0x1  }
0x8f: {  	v5 =	vperm.xlane v5, v2;
	v6 =	vadd.s32 v1, v6;
	_ =	sdelay $0x1  }
0x90: {  	v5 =	vadd.s32 v1, v5;
	_ =	sdelay $0x2  }
0x91: {  	[tilespmem:s0], [sflag:$0x2] =	stream.indirect_vreg.gather [hbm4b:s1+s25], $0x80, v6, vm0, $0xb8;
	[tilespmem:$0x1A400] =	vst v63  }
0x92: {  	_ = 	snop  }
0x93: {  	[tilespmem:s7], [sflag:$0x2] =	stream.indirect_vreg.gather [hbm4b:s1+s25], $0x80, v5, vm0, $0xb8;
	[tilespmem:$0x1A400] =	vst v63  }
0x94: {  	s19 =	simm.s32 $0x0;
	s15 =	simm.s32 $0x15480  }
0x95: {  	[tilespmem:s8], [sflag:$0x4] =	stream.indirect.gather [hbm4b:s2+s20], $0x80, s21, s20, $0xb8;
	[tilespmem:$0x1A400] =	vst v63  }
0x96: {  	s17 =	smul.u32 $0x3000, s19;
	v5 =	vld [tilespmem:s15+$0xFFFFFF80];
	_ =	sdelay $0x1  }
0x97: {  	s18 =	simm.s32 $0x0;
	s17 =	sshra.s32 s17, $0x2  }
0x98: {  	s18 =	sand.u32 $0x300, s18;
	s19 =	sadd.s32 $0x6C00, s17  }
0x99: {  	s17 =	sor.u32 s18, s19  }
0x9a: {  	[tilespmem:s17+$0x0] =	vst v5  }
0x9b: {  	v6 =	vmov s25;
	v5 =	vld [tilespmem:s15+$0xFFFFFF90]  }
0x9c: {  	v7 =	vshrl.u32 v6, $0x3  }
0x9d: {  	v6 =	vshll.u32 v6, $0x7;
	v7 =	vmul.u32 $0xC00, v7  }
0x9e: {  	v6 =	vand.u32 $0x300, v6  }
0x9f: {  	v6 =	vor.u32 v6, v7  }
0xa0: {  	[tilespmem:s17+$0x10] =	vst v5;
	v5 =	vor.u32 v3, v6  }
0xa1: {  	v6 =	vld [tilespmem:s15+$0xFFFFFFA0];
	v5 =	vadd.s32 $0x800, v5;
	_ =	sdelay $0x4  }
0xa2: {  	[tilespmem:v5+s10+$0x0] =	vst.idx.msk $0xfff, v6  }
0xa3: {  	v5 =	vld [tilespmem:s15+$0x0];
	_ =	sdelay $0x1  }
0xa4: {  	s17 =	simm.s32 $0x80  }
0xa5: {  	s21 =	sand.u32 $0x380, s17  }
0xa6: {  	s16 =	sor.u32 s21, s19  }
0xa7: {  	[tilespmem:s16+$0x0] =	vst v5  }
0xa8: {  	s25 =	simm.s32 $0x1;
	v5 =	vld [tilespmem:s15+$0x10]  }
0xa9: {  	v6 =	vmov s25  }
0xaa: {  	v7 =	vshrl.u32 v6, $0x3  }
0xab: {  	v6 =	vshll.u32 v6, $0x7;
	v7 =	vmul.u32 $0xC00, v7  }
0xac: {  	v6 =	vand.u32 $0x380, v6  }
0xad: {  	v6 =	vor.u32 v6, v7;
	[tilespmem:s16+$0x10] =	vst v5  }
0xae: {  	v6 =	vadd.s32 v4, v6;
	v5 =	vld [tilespmem:s15+$0x20];
	_ =	sdelay $0x2  }
0xaf: {  	s18 =	simm.s32 $0x4;
	s16 =	simm.s32 $0x2;
	s15 =	simm.s32 $0x15580  }
.LBB2_3:
0xb0: {  	s21 =	sshrl.u32 s16, $0x3  }
0xb1: {  	[tilespmem:v6+s10+$0x0] =	vst.idx.msk $0xfff, v5;
	s17 =	sadd.s32 $0x100, s17;
	s25 =	smov.u32 s18;
	s19 =	sadd.s32 $0x2, s18  }
0xb2: {  	p0 =	slt.u32 s18, $0x4E;
	v5 =	vld [tilespmem:s15+$0xFFFFFF80];
	s18 =	smul.u32 $0x3000, s21;
	_ =	sdelay $0x1  }
0xb3: {  	s21 =	sadd.s32 $0xFFFFFF80, s17;
	s18 =	sshra.s32 s18, $0x2  }
0xb4: {  	s21 =	sand.u32 $0x300, s21;
	s18 =	sadd.s32 $0x6C00, s18  }
0xb5: {  	s21 =	sor.u32 s21, s18  }
0xb6: {  	[tilespmem:s21+$0x0] =	vst v5  }
0xb7: {  	v6 =	vmov s16;
	v5 =	vld [tilespmem:s15+$0xFFFFFF90]  }
0xb8: {  	v7 =	vshrl.u32 v6, $0x3;
	v6 =	vshll.u32 v6, $0x7  }
0xb9: {  	v7 =	vmul.u32 $0xC00, v7  }
0xba: {  	v6 =	vand.u32 $0x300, v6  }
0xbb: {  	v6 =	vor.u32 v6, v7  }
0xbc: {  	[tilespmem:s21+$0x10] =	vst v5;
	v5 =	vor.u32 v3, v6  }
0xbd: {  	v6 =	vld [tilespmem:s15+$0xFFFFFFA0];
	v5 =	vadd.s32 $0x800, v5;
	_ =	sdelay $0x4  }
0xbe: {  	[tilespmem:v5+s10+$0x0] =	vst.idx.msk $0xfff, v6  }
0xbf: {  	v5 =	vld [tilespmem:s15+$0x0];
	_ =	sdelay $0x2  }
0xc0: {  	s21 =	sand.u32 $0x380, s17  }
0xc1: {  	s18 =	sor.u32 s21, s18  }
0xc2: {  	[tilespmem:s18+$0x0] =	vst v5  }
0xc3: {  	s21 =	sadd.s32 $0x1, s16;
	s16 =	smov.u32 s25;
	v5 =	vld [tilespmem:s15+$0x10]  }
0xc4: {  	v6 =	vmov s21  }
0xc5: {  	v7 =	vshrl.u32 v6, $0x3;
	v6 =	vshll.u32 v6, $0x7  }
0xc6: {  	v7 =	vmul.u32 $0xC00, v7  }
0xc7: {  	v6 =	vand.u32 $0x380, v6  }
0xc8: {  	v6 =	vor.u32 v6, v7;
	[tilespmem:s18+$0x10] =	vst v5  }
.Ltmp0:
0xc9: {  	v6 =	vadd.s32 v4, v6;
	v5 =	vld [tilespmem:s15+$0x20];
	(pc) =	sbr.rel @p0 .LBB2_3-.Ltmp0, $2  }
0xca: {  	_ =	sdelay $0x2  }
0xcb: {  	s18 =	smov.u32 s19;
	s15 =	sadd.s32 $0x100, s15  }
0xcc: {  	_ =	sdelay $0x3  }
0xcd: {  	s18 =	sshrl.u32 s16, $0x3;
	[tilespmem:v6+s10+$0x0] =	vst.idx.msk $0xfff, v5  }
0xce: {  	v5 =	vld [tilespmem:s15+$0xFFFFFF80];
	s18 =	smul.u32 $0x3000, s18  }
0xcf: {  	s17 =	sadd.s32 $0x100, s17  }
0xd0: {  	s19 =	sadd.s32 $0xFFFFFF80, s17;
	s18 =	sshra.s32 s18, $0x2  }
0xd1: {  	s19 =	sand.u32 $0x300, s19;
	s18 =	sadd.s32 $0x6C00, s18  }
0xd2: {  	s19 =	sor.u32 s19, s18  }
0xd3: {  	[tilespmem:s19+$0x0] =	vst v5  }
0xd4: {  	v6 =	vmov s16;
	v5 =	vld [tilespmem:s15+$0xFFFFFF90]  }
0xd5: {  	v7 =	vshrl.u32 v6, $0x3  }
0xd6: {  	v6 =	vshll.u32 v6, $0x7;
	v7 =	vmul.u32 $0xC00, v7  }
0xd7: {  	v6 =	vand.u32 $0x300, v6  }
0xd8: {  	v6 =	vor.u32 v6, v7  }
0xd9: {  	[tilespmem:s19+$0x10] =	vst v5;
	v5 =	vor.u32 v3, v6  }
0xda: {  	v6 =	vld [tilespmem:s15+$0xFFFFFFA0];
	v5 =	vadd.s32 $0x800, v5;
	_ =	sdelay $0x4  }
0xdb: {  	[tilespmem:v5+s10+$0x0] =	vst.idx.msk $0xfff, v6  }
0xdc: {  	v5 =	vld [tilespmem:s15+$0x0];
	_ =	sdelay $0x2  }
0xdd: {  	s17 =	sand.u32 $0x380, s17  }
0xde: {  	s17 =	sor.u32 s17, s18  }
0xdf: {  	[tilespmem:s17+$0x0] =	vst v5  }
0xe0: {  	s19 =	sadd.s32 $0x1, s16;
	v5 =	vld [tilespmem:s15+$0x10]  }
0xe1: {  	v6 =	vmov s19  }
0xe2: {  	v7 =	vshrl.u32 v6, $0x3  }
0xe3: {  	v6 =	vshll.u32 v6, $0x7;
	v7 =	vmul.u32 $0xC00, v7  }
0xe4: {  	v6 =	vand.u32 $0x380, v6  }
0xe5: {  	s21 =	smul.u32 $0xA0, s13;
	[tilespmem:s17+$0x10] =	vst v5;
	v5 =	vor.u32 v6, v7  }
0xe6: {  	v6 =	vld [tilespmem:s15+$0x20];
	v5 =	vadd.s32 v4, v5  }
0xe7: {  	s25 =	sadd.s32 s5, s21  }
0xe8: {  	s15 =	sshrl.u32 s25, $0x3  }
0xe9: {  	s15 =	smul.u32 $0x180, s15;
	_ =	sdelay $0x1  }
0xea: {  	s15 =	sadd.s32 s6, s15;
	[tilespmem:v5+s10+$0x0] =	vst.idx.msk $0xfff, v6  }
0xeb: {  	[hbm4b:s15+s4] =	stream.linear.scatter [tilespmem:s10], [sflag:$0x5], $0x7800, $0x38;
	[tilespmem:$0x1A400] =	vst v63  }
0xec: {  	_ =	swait.ge [sflag:s9], $0x5000  }
0xed: {  	[sflag:s9] =	ssyncset.done $0x0  }
0xee: {  	[sflag:s9] =	ssyncadd.s32 $0xFFFFB000  }
0xef: {  	p0 =	seq.s32 s13, $0x9F;
	_ =	swait.ge [sflag:s11], $0x2800  }
.Ltmp1:
0xf0: {  	[sflag:s11] =	ssyncset.done $0x0;
	(pc) =	sbr.rel @p0 .LBB2_6-.Ltmp1, $4  }
0xf1: {  	[sflag:s11] =	ssyncadd.s32 $0xFFFFD800  }
0xf2: {  	_ =	swait.ge [sflag:s12], $0x7800  }
0xf3: {  	[sflag:s12] =	ssyncset.done $0x0  }
0xf4: {  	[sflag:s12] =	ssyncadd.s32 $0xFFFF8800  }
0xf5: {  	s15 =	smul.u32 $0x280, s13;
	_ =	sdelay $0x1  }
0xf6: {  	s15 =	sshra.s32 s15, $0x2  }
0xf7: {  	v5 =	vld [tilespmem:s15+$0xA0];
	_ =	sdelay $0x4  }
0xf8: {  	v6 =	vshrl.u32 v5, $0x3  }
0xf9: {  	v6 =	vmul.u32 $0x18, v6  }
0xfa: {  	v5 =	vand.u32 $0x7, v5  }
0xfb: {  	v5 =	vor.u32 v5, v6  }
0xfc: {  	v6 =	vperm.xlane v5, v0;
	_ =	sdelay $0x1  }
0xfd: {  	v5 =	vperm.xlane v5, v2;
	v6 =	vadd.s32 v1, v6;
	_ =	sdelay $0x1  }
0xfe: {  	v5 =	vadd.s32 v1, v5;
	_ =	sdelay $0x2  }
0xff: {  	[tilespmem:s10], [sflag:$0x1] =	stream.indirect_vreg.gather [hbm4b:s1+s4], $0x80, v6, vm0, $0xb8;
	[tilespmem:$0x1A400] =	vst v63  }
0x100: {  	s16 =	simm.s32 $0x7000  }
0x101: {  	[tilespmem:s16], [sflag:$0x1] =	stream.indirect_vreg.gather [hbm4b:s1+s4], $0x80, v5, vm0, $0xb8;
	[tilespmem:$0x1A400] =	vst v63  }
0x102: {  	v5 =	vld [tilespmem:s15+$0xB0];
	_ =	sdelay $0x4  }
0x103: {  	v6 =	vshrl.u32 v5, $0x3  }
0x104: {  	v6 =	vmul.u32 $0x18, v6  }
0x105: {  	v5 =	vand.u32 $0x7, v5  }
0x106: {  	v5 =	vor.u32 v5, v6  }
0x107: {  	v6 =	vperm.xlane v5, v0;
	_ =	sdelay $0x1  }
0x108: {  	v5 =	vperm.xlane v5, v2;
	v6 =	vadd.s32 v1, v6;
	_ =	sdelay $0x1  }
0x109: {  	v5 =	vadd.s32 v1, v5;
	_ =	sdelay $0x1  }
0x10a: {  	s18 =	simm.s32 $0x7C00  }
0x10b: {  	[tilespmem:s18], [sflag:$0x1] =	stream.indirect_vreg.gather [hbm4b:s1+s4], $0x80, v6, vm0, $0xb8;
	[tilespmem:$0x1A400] =	vst v63  }
0x10c: {  	s19 =	simm.s32 $0x8800  }
0x10d: {  	[tilespmem:s19], [sflag:$0x1] =	stream.indirect_vreg.gather [hbm4b:s1+s4], $0x80, v5, vm0, $0xb8;
	[tilespmem:$0x1A400] =	vst v63  }
0x10e: {  	v5 =	vld [tilespmem:s15+$0xC0];
	_ =	sdelay $0x4  }
0x10f: {  	v6 =	vshrl.u32 v5, $0x3  }
0x110: {  	v6 =	vmul.u32 $0x18, v6  }
0x111: {  	v5 =	vand.u32 $0x7, v5  }
0x112: {  	v5 =	vor.u32 v5, v6  }
0x113: {  	v6 =	vperm.xlane v5, v0;
	_ =	sdelay $0x1  }
0x114: {  	v5 =	vperm.xlane v5, v2;
	v6 =	vadd.s32 v1, v6;
	_ =	sdelay $0x1  }
0x115: {  	v5 =	vadd.s32 v1, v5;
	_ =	sdelay $0x1  }
0x116: {  	s21 =	simm.s32 $0x9400  }
0x117: {  	[tilespmem:s21], [sflag:$0x1] =	stream.indirect_vreg.gather [hbm4b:s1+s4], $0x80, v6, vm0, $0xb8;
	[tilespmem:$0x1A400] =	vst v63  }
0x118: {  	s25 =	simm.s32 $0xA000  }
0x119: {  	[tilespmem:s25], [sflag:$0x1] =	stream.indirect_vreg.gather [hbm4b:s1+s4], $0x80, v5, vm0, $0xb8;
	[tilespmem:$0x1A400] =	vst v63  }
0x11a: {  	v5 =	vld [tilespmem:s15+$0xD0];
	_ =	sdelay $0x4  }
0x11b: {  	v6 =	vshrl.u32 v5, $0x3  }
0x11c: {  	v6 =	vmul.u32 $0x18, v6  }
0x11d: {  	v5 =	vand.u32 $0x7, v5  }
0x11e: {  	v5 =	vor.u32 v5, v6  }
0x11f: {  	v6 =	vperm.xlane v5, v0;
	_ =	sdelay $0x1  }
0x120: {  	v5 =	vperm.xlane v5, v2;
	v6 =	vadd.s32 v1, v6;
	_ =	sdelay $0x1  }
0x121: {  	v5 =	vadd.s32 v1, v5;
	_ =	sdelay $0x1  }
0x122: {  	s17 =	simm.s32 $0xAC00  }
0x123: {  	[tilespmem:s17], [sflag:$0x1] =	stream.indirect_vreg.gather [hbm4b:s1+s4], $0x80, v6, vm0, $0xb8;
	[tilespmem:$0x1A400] =	vst v63  }
0x124: {  	s18 =	simm.s32 $0xB800  }
0x125: {  	[tilespmem:s18], [sflag:$0x1] =	stream.indirect_vreg.gather [hbm4b:s1+s4], $0x80, v5, vm0, $0xb8;
	[tilespmem:$0x1A400] =	vst v63  }
0x126: {  	v5 =	vld [tilespmem:s15+$0xE0];
	_ =	sdelay $0x4  }
0x127: {  	v6 =	vshrl.u32 v5, $0x3  }
0x128: {  	v6 =	vmul.u32 $0x18, v6  }
0x129: {  	v5 =	vand.u32 $0x7, v5  }
0x12a: {  	v5 =	vor.u32 v5, v6  }
0x12b: {  	v6 =	vperm.xlane v5, v0;
	_ =	sdelay $0x1  }
0x12c: {  	v5 =	vperm.xlane v5, v2;
	v6 =	vadd.s32 v1, v6;
	_ =	sdelay $0x1  }
0x12d: {  	v5 =	vadd.s32 v1, v5;
	_ =	sdelay $0x1  }
0x12e: {  	s19 =	simm.s32 $0xC400  }
0x12f: {  	[tilespmem:s19], [sflag:$0x1] =	stream.indirect_vreg.gather [hbm4b:s1+s4], $0x80, v6, vm0, $0xb8;
	[tilespmem:$0x1A400] =	vst v63  }
0x130: {  	s21 =	simm.s32 $0xD000  }
0x131: {  	[tilespmem:s21], [sflag:$0x1] =	stream.indirect_vreg.gather [hbm4b:s1+s4], $0x80, v5, vm0, $0xb8;
	[tilespmem:$0x1A400] =	vst v63  }
0x132: {  	s25 =	simm.s32 $0x15400;
	s15 =	sadd.s32 $0xA0, s15  }
0x133: {  	[tilespmem:s25], [sflag:$0x3] =	stream.indirect.gather [hbm4b:s2+s20], $0x80, s15, s20, $0xb8;
	[tilespmem:$0x1A400] =	vst v63  }
.LBB2_6:
0x134: {  	s15 =	simm.s32 $0x17C80;
	s16 =	simm.s32 $0x0  }
0x135: {  	v5 =	vld [tilespmem:s15+$0xFFFFFF80];
	s16 =	smul.u32 $0x3000, s16;
	_ =	sdelay $0x1  }
0x136: {  	s17 =	simm.s32 $0x0;
	s16 =	sshra.s32 s16, $0x2  }
0x137: {  	s17 =	sand.u32 $0x300, s17;
	s16 =	sadd.s32 $0xE400, s16  }
0x138: {  	s17 =	sor.u32 s17, s16  }
0x139: {  	s18 =	simm.s32 $0x0;
	[tilespmem:s17+$0x0] =	vst v5  }
0x13a: {  	v6 =	vmov s18;
	v5 =	vld [tilespmem:s15+$0xFFFFFF90]  }
0x13b: {  	v7 =	vshrl.u32 v6, $0x3  }
0x13c: {  	v6 =	vshll.u32 v6, $0x7;
	v7 =	vmul.u32 $0xC00, v7  }
0x13d: {  	v6 =	vand.u32 $0x300, v6  }
0x13e: {  	v6 =	vor.u32 v6, v7  }
0x13f: {  	[tilespmem:s17+$0x10] =	vst v5;
	v5 =	vor.u32 v3, v6  }
0x140: {  	v6 =	vld [tilespmem:s15+$0xFFFFFFA0];
	v5 =	vadd.s32 $0x800, v5;
	_ =	sdelay $0x4  }
0x141: {  	[tilespmem:v5+s24+$0x0] =	vst.idx.msk $0xfff, v6  }
0x142: {  	v5 =	vld [tilespmem:s15+$0x0];
	_ =	sdelay $0x1  }
0x143: {  	s17 =	simm.s32 $0x80  }
0x144: {  	s21 =	sand.u32 $0x380, s17  }
0x145: {  	s16 =	sor.u32 s21, s16  }
0x146: {  	[tilespmem:s16+$0x0] =	vst v5  }
0x147: {  	s25 =	simm.s32 $0x1;
	v5 =	vld [tilespmem:s15+$0x10]  }
0x148: {  	v6 =	vmov s25  }
0x149: {  	v7 =	vshrl.u32 v6, $0x3  }
0x14a: {  	v6 =	vshll.u32 v6, $0x7;
	v7 =	vmul.u32 $0xC00, v7  }
0x14b: {  	v6 =	vand.u32 $0x380, v6  }
0x14c: {  	v6 =	vor.u32 v6, v7;
	[tilespmem:s16+$0x10] =	vst v5  }
0x14d: {  	v6 =	vadd.s32 v4, v6;
	v5 =	vld [tilespmem:s15+$0x20];
	_ =	sdelay $0x2  }
0x14e: {  	s19 =	simm.s32 $0x4;
	s16 =	simm.s32 $0x2;
	s15 =	simm.s32 $0x17D80  }
.LBB2_7:
0x14f: {  	s21 =	sshrl.u32 s16, $0x3  }
0x150: {  	[tilespmem:v6+s24+$0x0] =	vst.idx.msk $0xfff, v5;
	s17 =	sadd.s32 $0x100, s17;
	s25 =	smov.u32 s19;
	s18 =	sadd.s32 $0x2, s19  }
0x151: {  	p0 =	slt.u32 s19, $0x4E;
	v5 =	vld [tilespmem:s15+$0xFFFFFF80];
	s19 =	smul.u32 $0x3000, s21;
	_ =	sdelay $0x1  }
0x152: {  	s21 =	sadd.s32 $0xFFFFFF80, s17;
	s19 =	sshra.s32 s19, $0x2  }
0x153: {  	s21 =	sand.u32 $0x300, s21;
	s19 =	sadd.s32 $0xE400, s19  }
0x154: {  	s21 =	sor.u32 s21, s19  }
0x155: {  	[tilespmem:s21+$0x0] =	vst v5  }
0x156: {  	v6 =	vmov s16;
	v5 =	vld [tilespmem:s15+$0xFFFFFF90]  }
0x157: {  	v7 =	vshrl.u32 v6, $0x3;
	v6 =	vshll.u32 v6, $0x7  }
0x158: {  	v7 =	vmul.u32 $0xC00, v7  }
0x159: {  	v6 =	vand.u32 $0x300, v6  }
0x15a: {  	v6 =	vor.u32 v6, v7  }
0x15b: {  	[tilespmem:s21+$0x10] =	vst v5;
	v5 =	vor.u32 v3, v6  }
0x15c: {  	v6 =	vld [tilespmem:s15+$0xFFFFFFA0];
	v5 =	vadd.s32 $0x800, v5;
	_ =	sdelay $0x4  }
0x15d: {  	[tilespmem:v5+s24+$0x0] =	vst.idx.msk $0xfff, v6  }
0x15e: {  	v5 =	vld [tilespmem:s15+$0x0];
	_ =	sdelay $0x2  }
0x15f: {  	s21 =	sand.u32 $0x380, s17  }
0x160: {  	s19 =	sor.u32 s21, s19  }
0x161: {  	[tilespmem:s19+$0x0] =	vst v5  }
0x162: {  	s21 =	sadd.s32 $0x1, s16;
	s16 =	smov.u32 s25;
	v5 =	vld [tilespmem:s15+$0x10]  }
0x163: {  	v6 =	vmov s21  }
0x164: {  	v7 =	vshrl.u32 v6, $0x3;
	v6 =	vshll.u32 v6, $0x7  }
0x165: {  	v7 =	vmul.u32 $0xC00, v7  }
0x166: {  	v6 =	vand.u32 $0x380, v6  }
0x167: {  	v6 =	vor.u32 v6, v7;
	[tilespmem:s19+$0x10] =	vst v5  }
.Ltmp2:
0x168: {  	v6 =	vadd.s32 v4, v6;
	v5 =	vld [tilespmem:s15+$0x20];
	(pc) =	sbr.rel @p0 .LBB2_7-.Ltmp2, $2  }
0x169: {  	_ =	sdelay $0x2  }
0x16a: {  	s19 =	smov.u32 s18;
	s15 =	sadd.s32 $0x100, s15  }
0x16b: {  	_ =	sdelay $0x3  }
0x16c: {  	s18 =	sshrl.u32 s16, $0x3;
	[tilespmem:v6+s24+$0x0] =	vst.idx.msk $0xfff, v5  }
0x16d: {  	v5 =	vld [tilespmem:s15+$0xFFFFFF80];
	s18 =	smul.u32 $0x3000, s18  }
0x16e: {  	s17 =	sadd.s32 $0x100, s17  }
0x16f: {  	s19 =	sadd.s32 $0xFFFFFF80, s17;
	s18 =	sshra.s32 s18, $0x2  }
0x170: {  	s19 =	sand.u32 $0x300, s19;
	s18 =	sadd.s32 $0xE400, s18  }
0x171: {  	s19 =	sor.u32 s19, s18  }
0x172: {  	[tilespmem:s19+$0x0] =	vst v5  }
0x173: {  	v6 =	vmov s16;
	v5 =	vld [tilespmem:s15+$0xFFFFFF90]  }
0x174: {  	v7 =	vshrl.u32 v6, $0x3  }
0x175: {  	v6 =	vshll.u32 v6, $0x7;
	v7 =	vmul.u32 $0xC00, v7  }
0x176: {  	v6 =	vand.u32 $0x300, v6  }
0x177: {  	v6 =	vor.u32 v6, v7  }
0x178: {  	[tilespmem:s19+$0x10] =	vst v5;
	v5 =	vor.u32 v3, v6  }
0x179: {  	v6 =	vld [tilespmem:s15+$0xFFFFFFA0];
	v5 =	vadd.s32 $0x800, v5;
	_ =	sdelay $0x4  }
0x17a: {  	[tilespmem:v5+s24+$0x0] =	vst.idx.msk $0xfff, v6  }
0x17b: {  	v5 =	vld [tilespmem:s15+$0x0];
	_ =	sdelay $0x2  }
0x17c: {  	s17 =	sand.u32 $0x380, s17  }
0x17d: {  	s17 =	sor.u32 s17, s18  }
0x17e: {  	[tilespmem:s17+$0x0] =	vst v5  }
0x17f: {  	s25 =	sadd.s32 $0x1, s16;
	v5 =	vld [tilespmem:s15+$0x10]  }
0x180: {  	v6 =	vmov s25  }
0x181: {  	v7 =	vshrl.u32 v6, $0x3  }
0x182: {  	v6 =	vshll.u32 v6, $0x7;
	v7 =	vmul.u32 $0xC00, v7  }
0x183: {  	v6 =	vand.u32 $0x380, v6  }
0x184: {  	s14 =	smul.u32 $0x50, s14;
	[tilespmem:s17+$0x10] =	vst v5;
	v5 =	vor.u32 v6, v7  }
0x185: {  	s13 =	sadd.s32 $0x1, s13;
	v6 =	vld [tilespmem:s15+$0x20];
	v5 =	vadd.s32 v4, v5  }
0x186: {  	p0 =	sne.s32 s13, $0xA0;
	s14 =	sadd.s32 s5, s14  }
.Ltmp3:
0x187: {  	s14 =	sshrl.u32 s14, $0x3;
	(pc) =	sbr.rel @p0 .LBB2_2-.Ltmp3, $3  }
0x188: {  	s14 =	smul.u32 $0x180, s14;
	_ =	sdelay $0x1  }
0x189: {  	s14 =	sadd.s32 s6, s14;
	[tilespmem:v5+s24+$0x0] =	vst.idx.msk $0xfff, v6  }
0x18a: {  	[hbm4b:s14+s4] =	stream.linear.scatter [tilespmem:s24], [sflag:$0x6], $0x7800, $0x38;
	[tilespmem:$0x1A400] =	vst v63  }
0x18b: {  	s14 =	simm.s32 $0x6  }
0x18c: {  	_ =	swait.ge [sflag:s14], $0x7800  }
0x18d: {  	s15 =	rddreg [dreg:$0x7]  }
0x18e: {  	s13 =	rddreg [dreg:$0x6];
	s15 =	sadd.s32 $0x1, s15  }
0x18f: {  	p0 =	sne.s32 s15, s13  }
.Ltmp4:
0x190: {  	_ = 	snop;
	(pc) =	sbr.rel @p0 .LBB2_1-.Ltmp4, $3  }
0x191: {  	_ =	sdelay $0x1  }
0x192: {  	[sflag:s14] =	ssyncset.done $0x0  }
0x193: {  	[sflag:s14] =	ssyncadd.s32 $0xFFFF8800  }
0x194: {  	_ =	sfence.sel $0x180000  }
0x195: {  	[bflag:$0x0] =	sbarrier.arrive $0xFFFF  }
0x196: {  	_ =	strace $0x90000047  }
0x197: {  	s0 =	stileid.u32;
	[bflag:$0x2] =	sbarrier.arrive $0xFFFF  }
0x198: {  	p0 =	sne.s32 s0, $0x0;
	s0 =	rddreg [dreg:$0x4]  }
0x199: {  	s0 =	sadd.s32 @!p0 $0x100000, s0  }
0x19a: {  	[sflag:s0] =	ssyncadd.tile.s32 @!p0 $0x1;
	_ =	shalt  }
.Lfunc_end2:
_tile_overlayer_lowered:
.L_overlay_start_2:
0x19b: {  	(tag) =	ssettag $0x2  }
0x19c: {  	s0 =	rddreg [dreg:$0x0];
	s2 =	stileid.u32  }
0x19d: {  	s1 =	rddreg [dreg:$0x1];
	p0 =	sne.s32 s2, $0x0  }
0x19e: {  	s3 =	rddreg [dreg:$0x2];
	[bflag:$0x3] =	sbarrier.arrive $0xFFFF;
	s2 =	simm.s32 @!p0 $0x1C07  }
0x19f: {  	[timem:s3], [sflag:s2] =	dma.local @!p0 [hbm:s0], s1  }
0x1a0: {  	s0 =	simm.s32 @!p0 $0x7  }
0x1a1: {  	_ =	swait.ge @!p0 [sflag:s0], s1  }
0x1a2: {  	s1 =	ssub.s32 @!p0 $0x0, s1;
	[sflag:s0] =	ssyncset.done @!p0 $0x0  }
0x1a3: {  	[sflag:s0] =	ssyncadd.s32 @!p0 s1  }
0x1a4: {  	[bflag:$0x3] =	sbarrier.arrive $0xFFFF  }
0x1a5: {  	_ =	shalt  }

</sc_bundles>
